<compile_context>
chip_gen: v7x
topology: tpu7x:2x2x1
jax: 0.10.2.dev20260603
libtpu: 0.0.44.dev20260713+nightly
codegen_flags: <defaults>
</compile_context>

<pallas_src>
import functools

import jax
import jax.numpy as jnp
from jax import lax
from jax.experimental import pallas as pl
from jax.experimental.pallas import tpu as pltpu
from jax.experimental.pallas import tpu_sc as plsc

N = 16384
K = 128
LANES = 16
NUM_CORES = 2
NUM_SUBCORES = 16
NUM_WORKERS = NUM_CORES * NUM_SUBCORES
ROWS_PER_WORKER = N // NUM_WORKERS
CHUNK = 128
NCHUNKS = ROWS_PER_WORKER // CHUNK
NBUF = 2
CPK = K // LANES

_mesh = plsc.VectorSubcoreMesh(
    core_axis_name="c", subcore_axis_name="s",
    num_cores=NUM_CORES, num_subcores=NUM_SUBCORES,
)


@functools.partial(
    pl.kernel,
    out_type=jax.ShapeDtypeStruct((N,), jnp.float32),
    mesh=_mesh,
    scratch_types=[
        pltpu.VMEM((CHUNK, K), jnp.float32),
        pltpu.VMEM((CHUNK, K), jnp.float32),
        pltpu.VMEM((CHUNK, K), jnp.float32),
        pltpu.VMEM((CHUNK, K), jnp.float32),
        pltpu.VMEM((ROWS_PER_WORKER,), jnp.float32),
        pltpu.SemaphoreType.DMA,
        pltpu.SemaphoreType.DMA,
    ],
    compiler_params=pltpu.CompilerParams(needs_layout_passes=False),
)
def _row_dot(gu_hbm, gi_hbm, out_hbm,
             gu_v0, gi_v0, gu_v1, gi_v1, out_v, sem0, sem1):
    wid = lax.axis_index("s") * NUM_CORES + lax.axis_index("c")
    base = wid * ROWS_PER_WORKER
    bufs = ((gu_v0, gi_v0, sem0), (gu_v1, gi_v1, sem1))
    lane = lax.iota(jnp.int32, LANES)
    perms = [lane ^ k for k in (1, 2, 4, 8)]

    def start(b, g):
        guv, giv, sem = bufs[b]
        rbase = base + g * CHUNK
        pltpu.async_copy(gu_hbm.at[pl.ds(rbase, CHUNK), :], guv, sem)
        pltpu.async_copy(gi_hbm.at[pl.ds(rbase, CHUNK), :], giv, sem)

    start(0, 0)
    start(1, 1)

    def super_body(si, carry):
        for b in range(NBUF):
            guv, giv, sem = bufs[b]
            g = si * NBUF + b
            pltpu.make_async_copy(gu_hbm.at[pl.ds(0, CHUNK), :], guv, sem).wait()
            pltpu.make_async_copy(gi_hbm.at[pl.ds(0, CHUNK), :], giv, sem).wait()
            obase = g * CHUNK

            @plsc.parallel_loop(0, CHUNK, step=1, unroll=4)
            def row_body(r, guv=guv, giv=giv, obase=obase):
                acc = guv[r, pl.ds(0, LANES)] * giv[r, pl.ds(0, LANES)]
                for c in range(1, CPK):
                    acc = acc + (guv[r, pl.ds(c * LANES, LANES)]
                                 * giv[r, pl.ds(c * LANES, LANES)])
                for p in perms:
                    acc = acc + acc.at[p].get(mode="promise_in_bounds")
                idx = jnp.full((LANES,), obase + r, jnp.int32)
                plsc.store_scatter(out_v, [idx], acc)

            @pl.when(g + NBUF < NCHUNKS)
            def _issue(b=b, g=g):
                start(b, g + NBUF)
        return carry

    lax.fori_loop(0, NCHUNKS // NBUF, super_body, 0)
    pltpu.sync_copy(out_v, out_hbm.at[pl.ds(base, ROWS_PER_WORKER)])


def kernel(gu, gi):
    return _row_dot(gu, gi)

# --- scband reference (transcript-rebuilt; emitter-appended) ---
"""Pipeline reference for scband-mmgcnmodel-24043226923509 (READ-ONLY COPY).

The authoritative reference and input builder live on the scoring server;
editing this copy changes nothing except your own understanding.
"""

import jax, jax.numpy as jnp
import numpy as np


def setup_inputs(seed: int = 0) -> dict:
    key = jax.random.key(seed)
    k1, k2 = jax.random.split(key)
    gu = jax.random.normal(k1, (16384, 128), dtype=jnp.float32)
    gi = jax.random.normal(k2, (16384, 128), dtype=jnp.float32)
    return {"gu": gu, "gi": gi}


def reference(gu, gi):
    # MMGCNModel.forward: inputs=(gu, gi)
    # gamma_u = squeeze(gu); gamma_i = squeeze(gi); xui = sum(gamma_u * gamma_i, dim=1)
    gamma_u = jnp.squeeze(gu)
    gamma_i = jnp.squeeze(gi)
    xui = jnp.sum(gamma_u * gamma_i, axis=1)
    return xui

if __name__ == "__main__":
    import jax
    _d = setup_inputs()
    print(jax.jit(kernel)(*tuple(_d.values())))

</pallas_src>

<mosaic_0001>
#map = affine_map<(d0, d1) -> (0, 0)>
#map1 = affine_map<(d0, d1) -> (0)>
module attributes {stable_mosaic.version = 14 : i64} {
  func.func @_row_dot(%arg0: i32, %arg1: i32, %arg2: memref<16384x128xf32, #tpu.memory_space<hbm>>, %arg3: memref<16384x128xf32, #tpu.memory_space<hbm>>, %arg4: memref<16384xf32, #tpu.memory_space<hbm>>, %arg5: memref<128x128xf32, #tpu.memory_space<vmem>>, %arg6: memref<128x128xf32, #tpu.memory_space<vmem>>, %arg7: memref<128x128xf32, #tpu.memory_space<vmem>>, %arg8: memref<128x128xf32, #tpu.memory_space<vmem>>, %arg9: memref<512xf32, #tpu.memory_space<vmem>>, %arg10: memref<!tpu.dma_semaphore, #tpu.memory_space<semaphore_mem>>, %arg11: memref<!tpu.dma_semaphore, #tpu.memory_space<semaphore_mem>>) attributes {dimension_semantics = [#tpu.dimension_semantics<core_parallel>, #tpu.dimension_semantics<subcore_parallel>], iteration_bounds = array<i64: 2, 16>, scalar_prefetch = 0 : i64, scratch_operands = 7 : i64, tpu.core_type = #tpu.core_type<sc_vector_subcore>, window_params = [{transform_indices = #map}, {transform_indices = #map}, {transform_indices = #map1}]} {
    %mul3A = arith.constant 2 : i32
    %mul3A_0 = arith.muli %arg1, %mul3A : i32
    %add3A = arith.addi %mul3A_0, %arg0 : i32
    %mul3A_1 = arith.constant 512 : i32
    %mul3A_2 = arith.muli %add3A, %mul3A_1 : i32
    %iota3A = tpu.iota {dimensions = array<i32: 0>} : vector<16xi32>
    %xor3A = arith.constant 1 : i32
    %xor3A_3 = vector.broadcast %xor3A : i32 to vector<16xi32>
    %xor3A_4 = arith.xori %iota3A, %xor3A_3 : vector<16xi32>
    %xor3A_5 = arith.constant 2 : i32
    %xor3A_6 = vector.broadcast %xor3A_5 : i32 to vector<16xi32>
    %xor3A_7 = arith.xori %iota3A, %xor3A_6 : vector<16xi32>
    %xor3A_8 = arith.constant 4 : i32
    %xor3A_9 = vector.broadcast %xor3A_8 : i32 to vector<16xi32>
    %xor3A_10 = arith.xori %iota3A, %xor3A_9 : vector<16xi32>
    %xor3A_11 = arith.constant 8 : i32
    %xor3A_12 = vector.broadcast %xor3A_11 : i32 to vector<16xi32>
    %xor3A_13 = arith.xori %iota3A, %xor3A_12 : vector<16xi32>
    %add3A_14 = arith.constant 0 : i32
    %add3A_15 = arith.addi %mul3A_2, %add3A_14 : i32
    %dma_start3A = arith.constant 0 : i32
    %dma_start3A_16 = tpu.memref_slice %arg2[%add3A_15, %dma_start3A] : memref<16384x128xf32, #tpu.memory_space<hbm>> -> memref<128x128xf32, #tpu.memory_space<hbm>>
    %dma_start3A_17 = arith.constant 0 : i32
    %dma_start3A_18 = tpu.memref_slice %arg2[%add3A_15, %dma_start3A_17] : memref<16384x128xf32, #tpu.memory_space<hbm>> -> memref<128x128xf32, #tpu.memory_space<hbm>>
    tpu.enqueue_dma source(%dma_start3A_18 : memref<128x128xf32, #tpu.memory_space<hbm>>) target(%arg5 : memref<128x128xf32, #tpu.memory_space<vmem>>) target_semaphore(%arg10 : memref<!tpu.dma_semaphore, #tpu.memory_space<semaphore_mem>>)
    %dma_start3A_19 = arith.constant 0 : i32
    %dma_start3A_20 = tpu.memref_slice %arg3[%add3A_15, %dma_start3A_19] : memref<16384x128xf32, #tpu.memory_space<hbm>> -> memref<128x128xf32, #tpu.memory_space<hbm>>
    %dma_start3A_21 = arith.constant 0 : i32
    %dma_start3A_22 = tpu.memref_slice %arg3[%add3A_15, %dma_start3A_21] : memref<16384x128xf32, #tpu.memory_space<hbm>> -> memref<128x128xf32, #tpu.memory_space<hbm>>
    tpu.enqueue_dma source(%dma_start3A_22 : memref<128x128xf32, #tpu.memory_space<hbm>>) target(%arg6 : memref<128x128xf32, #tpu.memory_space<vmem>>) target_semaphore(%arg10 : memref<!tpu.dma_semaphore, #tpu.memory_space<semaphore_mem>>)
    %add3A_23 = arith.constant 128 : i32
    %add3A_24 = arith.addi %mul3A_2, %add3A_23 : i32
    %dma_start3A_25 = arith.constant 0 : i32
    %dma_start3A_26 = tpu.memref_slice %arg2[%add3A_24, %dma_start3A_25] : memref<16384x128xf32, #tpu.memory_space<hbm>> -> memref<128x128xf32, #tpu.memory_space<hbm>>
    %dma_start3A_27 = arith.constant 0 : i32
    %dma_start3A_28 = tpu.memref_slice %arg2[%add3A_24, %dma_start3A_27] : memref<16384x128xf32, #tpu.memory_space<hbm>> -> memref<128x128xf32, #tpu.memory_space<hbm>>
    tpu.enqueue_dma source(%dma_start3A_28 : memref<128x128xf32, #tpu.memory_space<hbm>>) target(%arg7 : memref<128x128xf32, #tpu.memory_space<vmem>>) target_semaphore(%arg11 : memref<!tpu.dma_semaphore, #tpu.memory_space<semaphore_mem>>)
    %dma_start3A_29 = arith.constant 0 : i32
    %dma_start3A_30 = tpu.memref_slice %arg3[%add3A_24, %dma_start3A_29] : memref<16384x128xf32, #tpu.memory_space<hbm>> -> memref<128x128xf32, #tpu.memory_space<hbm>>
    %dma_start3A_31 = arith.constant 0 : i32
    %dma_start3A_32 = tpu.memref_slice %arg3[%add3A_24, %dma_start3A_31] : memref<16384x128xf32, #tpu.memory_space<hbm>> -> memref<128x128xf32, #tpu.memory_space<hbm>>
    tpu.enqueue_dma source(%dma_start3A_32 : memref<128x128xf32, #tpu.memory_space<hbm>>) target(%arg8 : memref<128x128xf32, #tpu.memory_space<vmem>>) target_semaphore(%arg11 : memref<!tpu.dma_semaphore, #tpu.memory_space<semaphore_mem>>)
    %scan3A = arith.constant 0 : i32
    %scan3A_33 = arith.constant 0 : i32
    %scan3A_34 = arith.constant 2 : i32
    %scan3A_35 = arith.addi %scan3A_33, %scan3A_34 : i32
    %scan3A_36 = arith.constant 1 : i32
    scf.for %scan3A_38 = %scan3A_33 to %scan3A_35 step %scan3A_36  : i32 {
      %mul3A_39 = arith.constant 2 : i32
      %mul3A_40 = arith.muli %scan3A_38, %mul3A_39 : i32
      %add3A_41 = arith.constant 0 : i32
      %add3A_42 = arith.addi %mul3A_40, %add3A_41 : i32
      %dma_wait3A = arith.constant 0 : i32
      %dma_wait3A_43 = arith.constant 0 : i32
      %dma_wait3A_44 = tpu.memref_slice %arg2[%dma_wait3A, %dma_wait3A_43] : memref<16384x128xf32, #tpu.memory_space<hbm>> -> memref<128x128xf32, #tpu.memory_space<hbm>>
      %dma_wait3A_45 = arith.constant 0 : i32
      %dma_wait3A_46 = arith.constant 0 : i32
      %dma_wait3A_47 = tpu.memref_slice %arg2[%dma_wait3A_45, %dma_wait3A_46] : memref<16384x128xf32, #tpu.memory_space<hbm>> -> memref<128x128xf32, #tpu.memory_space<hbm>>
      tpu.wait_dma2 semaphore(%arg10 : memref<!tpu.dma_semaphore, #tpu.memory_space<semaphore_mem>>) src(%dma_wait3A_47 : memref<128x128xf32, #tpu.memory_space<hbm>>) dst(%arg5 : memref<128x128xf32, #tpu.memory_space<vmem>>)
      %dma_wait3A_48 = arith.constant 0 : i32
      %dma_wait3A_49 = arith.constant 0 : i32
      %dma_wait3A_50 = tpu.memref_slice %arg3[%dma_wait3A_48, %dma_wait3A_49] : memref<16384x128xf32, #tpu.memory_space<hbm>> -> memref<128x128xf32, #tpu.memory_space<hbm>>
      %dma_wait3A_51 = arith.constant 0 : i32
      %dma_wait3A_52 = arith.constant 0 : i32
      %dma_wait3A_53 = tpu.memref_slice %arg3[%dma_wait3A_51, %dma_wait3A_52] : memref<16384x128xf32, #tpu.memory_space<hbm>> -> memref<128x128xf32, #tpu.memory_space<hbm>>
      tpu.wait_dma2 semaphore(%arg10 : memref<!tpu.dma_semaphore, #tpu.memory_space<semaphore_mem>>) src(%dma_wait3A_53 : memref<128x128xf32, #tpu.memory_space<hbm>>) dst(%arg6 : memref<128x128xf32, #tpu.memory_space<vmem>>)
      %mul3A_54 = arith.constant 128 : i32
      %mul3A_55 = arith.muli %add3A_42, %mul3A_54 : i32
      %parallel_loop3A = arith.constant 0 : i32
      %parallel_loop3A_56 = arith.constant 128 : i32
      %parallel_loop3A_57 = arith.constant 1 : i32
      scf.for %parallel_loop3A_90 = %parallel_loop3A to %parallel_loop3A_56 step %parallel_loop3A_57  : i32 {
        %parallel_loop3A_91 = arith.index_cast %parallel_loop3A_90 : i32 to index
        %parallel_loop3A_92 = arith.constant 0 : index
        %parallel_loop3A_93 = tpu.vector_load %arg5[%parallel_loop3A_91, %parallel_loop3A_92] {strides = array<i32>} : memref<128x128xf32, #tpu.memory_space<vmem>>, vector<16xf32>,
        %parallel_loop3A_94 = arith.index_cast %parallel_loop3A_90 : i32 to index
        %parallel_loop3A_95 = arith.constant 0 : index
        %parallel_loop3A_96 = tpu.vector_load %arg6[%parallel_loop3A_94, %parallel_loop3A_95] {strides = array<i32>} : memref<128x128xf32, #tpu.memory_space<vmem>>, vector<16xf32>,
        %parallel_loop3A_97 = arith.mulf %parallel_loop3A_93, %parallel_loop3A_96 : vector<16xf32>
        %parallel_loop3A_98 = arith.index_cast %parallel_loop3A_90 : i32 to index
        %parallel_loop3A_99 = arith.constant 16 : index
        %parallel_loop3A_100 = tpu.vector_load %arg5[%parallel_loop3A_98, %parallel_loop3A_99] {strides = array<i32>} : memref<128x128xf32, #tpu.memory_space<vmem>>, vector<16xf32>,
        %parallel_loop3A_101 = arith.index_cast %parallel_loop3A_90 : i32 to index
        %parallel_loop3A_102 = arith.constant 16 : index
        %parallel_loop3A_103 = tpu.vector_load %arg6[%parallel_loop3A_101, %parallel_loop3A_102] {strides = array<i32>} : memref<128x128xf32, #tpu.memory_space<vmem>>, vector<16xf32>,
        %parallel_loop3A_104 = arith.mulf %parallel_loop3A_100, %parallel_loop3A_103 : vector<16xf32>
        %parallel_loop3A_105 = arith.addf %parallel_loop3A_97, %parallel_loop3A_104 : vector<16xf32>
        %parallel_loop3A_106 = arith.index_cast %parallel_loop3A_90 : i32 to index
        %parallel_loop3A_107 = arith.constant 32 : index
        %parallel_loop3A_108 = tpu.vector_load %arg5[%parallel_loop3A_106, %parallel_loop3A_107] {strides = array<i32>} : memref<128x128xf32, #tpu.memory_space<vmem>>, vector<16xf32>,
        %parallel_loop3A_109 = arith.index_cast %parallel_loop3A_90 : i32 to index
        %parallel_loop3A_110 = arith.constant 32 : index
        %parallel_loop3A_111 = tpu.vector_load %arg6[%parallel_loop3A_109, %parallel_loop3A_110] {strides = array<i32>} : memref<128x128xf32, #tpu.memory_space<vmem>>, vector<16xf32>,
        %parallel_loop3A_112 = arith.mulf %parallel_loop3A_108, %parallel_loop3A_111 : vector<16xf32>
        %parallel_loop3A_113 = arith.addf %parallel_loop3A_105, %parallel_loop3A_112 : vector<16xf32>
        %parallel_loop3A_114 = arith.index_cast %parallel_loop3A_90 : i32 to index
        %parallel_loop3A_115 = arith.constant 48 : index
        %parallel_loop3A_116 = tpu.vector_load %arg5[%parallel_loop3A_114, %parallel_loop3A_115] {strides = array<i32>} : memref<128x128xf32, #tpu.memory_space<vmem>>, vector<16xf32>,
        %parallel_loop3A_117 = arith.index_cast %parallel_loop3A_90 : i32 to index
        %parallel_loop3A_118 = arith.constant 48 : index
        %parallel_loop3A_119 = tpu.vector_load %arg6[%parallel_loop3A_117, %parallel_loop3A_118] {strides = array<i32>} : memref<128x128xf32, #tpu.memory_space<vmem>>, vector<16xf32>,
        %parallel_loop3A_120 = arith.mulf %parallel_loop3A_116, %parallel_loop3A_119 : vector<16xf32>
        %parallel_loop3A_121 = arith.addf %parallel_loop3A_113, %parallel_loop3A_120 : vector<16xf32>
        %parallel_loop3A_122 = arith.index_cast %parallel_loop3A_90 : i32 to index
        %parallel_loop3A_123 = arith.constant 64 : index
        %parallel_loop3A_124 = tpu.vector_load %arg5[%parallel_loop3A_122, %parallel_loop3A_123] {strides = array<i32>} : memref<128x128xf32, #tpu.memory_space<vmem>>, vector<16xf32>,
        %parallel_loop3A_125 = arith.index_cast %parallel_loop3A_90 : i32 to index
        %parallel_loop3A_126 = arith.constant 64 : index
        %parallel_loop3A_127 = tpu.vector_load %arg6[%parallel_loop3A_125, %parallel_loop3A_126] {strides = array<i32>} : memref<128x128xf32, #tpu.memory_space<vmem>>, vector<16xf32>,
        %parallel_loop3A_128 = arith.mulf %parallel_loop3A_124, %parallel_loop3A_127 : vector<16xf32>
        %parallel_loop3A_129 = arith.addf %parallel_loop3A_121, %parallel_loop3A_128 : vector<16xf32>
        %parallel_loop3A_130 = arith.index_cast %parallel_loop3A_90 : i32 to index
        %parallel_loop3A_131 = arith.constant 80 : index
        %parallel_loop3A_132 = tpu.vector_load %arg5[%parallel_loop3A_130, %parallel_loop3A_131] {strides = array<i32>} : memref<128x128xf32, #tpu.memory_space<vmem>>, vector<16xf32>,
        %parallel_loop3A_133 = arith.index_cast %parallel_loop3A_90 : i32 to index
        %parallel_loop3A_134 = arith.constant 80 : index
        %parallel_loop3A_135 = tpu.vector_load %arg6[%parallel_loop3A_133, %parallel_loop3A_134] {strides = array<i32>} : memref<128x128xf32, #tpu.memory_space<vmem>>, vector<16xf32>,
        %parallel_loop3A_136 = arith.mulf %parallel_loop3A_132, %parallel_loop3A_135 : vector<16xf32>
        %parallel_loop3A_137 = arith.addf %parallel_loop3A_129, %parallel_loop3A_136 : vector<16xf32>
        %parallel_loop3A_138 = arith.index_cast %parallel_loop3A_90 : i32 to index
        %parallel_loop3A_139 = arith.constant 96 : index
        %parallel_loop3A_140 = tpu.vector_load %arg5[%parallel_loop3A_138, %parallel_loop3A_139] {strides = array<i32>} : memref<128x128xf32, #tpu.memory_space<vmem>>, vector<16xf32>,
        %parallel_loop3A_141 = arith.index_cast %parallel_loop3A_90 : i32 to index
        %parallel_loop3A_142 = arith.constant 96 : index
        %parallel_loop3A_143 = tpu.vector_load %arg6[%parallel_loop3A_141, %parallel_loop3A_142] {strides = array<i32>} : memref<128x128xf32, #tpu.memory_space<vmem>>, vector<16xf32>,
        %parallel_loop3A_144 = arith.mulf %parallel_loop3A_140, %parallel_loop3A_143 : vector<16xf32>
        %parallel_loop3A_145 = arith.addf %parallel_loop3A_137, %parallel_loop3A_144 : vector<16xf32>
        %parallel_loop3A_146 = arith.index_cast %parallel_loop3A_90 : i32 to index
        %parallel_loop3A_147 = arith.constant 112 : index
        %parallel_loop3A_148 = tpu.vector_load %arg5[%parallel_loop3A_146, %parallel_loop3A_147] {strides = array<i32>} : memref<128x128xf32, #tpu.memory_space<vmem>>, vector<16xf32>,
        %parallel_loop3A_149 = arith.index_cast %parallel_loop3A_90 : i32 to index
        %parallel_loop3A_150 = arith.constant 112 : index
        %parallel_loop3A_151 = tpu.vector_load %arg6[%parallel_loop3A_149, %parallel_loop3A_150] {strides = array<i32>} : memref<128x128xf32, #tpu.memory_space<vmem>>, vector<16xf32>,
        %parallel_loop3A_152 = arith.mulf %parallel_loop3A_148, %parallel_loop3A_151 : vector<16xf32>
        %parallel_loop3A_153 = arith.addf %parallel_loop3A_145, %parallel_loop3A_152 : vector<16xf32>
        %parallel_loop3A_154 = arith.constant 0 : i32
        %parallel_loop3A_155 = vector.broadcast %parallel_loop3A_154 : i32 to vector<16xi32>
        %parallel_loop3A_156 = arith.cmpi slt, %xor3A_4, %parallel_loop3A_155 : vector<16xi32>
        %parallel_loop3A_157 = arith.constant 16 : i32
        %parallel_loop3A_158 = vector.broadcast %parallel_loop3A_157 : i32 to vector<16xi32>
        %parallel_loop3A_159 = arith.addi %xor3A_4, %parallel_loop3A_158 : vector<16xi32>
        %parallel_loop3A_160 = arith.select %parallel_loop3A_156, %parallel_loop3A_159, %xor3A_4 : vector<16xi1>, vector<16xi32>
        %parallel_loop3A_161 = vector.shape_cast %parallel_loop3A_160 : vector<16xi32> to vector<16x1xi32>
        %parallel_loop3A_162 = vector.shape_cast %parallel_loop3A_161 : vector<16x1xi32> to vector<16xi32>
        %parallel_loop3A_163 = tpu.dynamic_gather %parallel_loop3A_153[%parallel_loop3A_162] in [0] : vector<16xf32>, vector<16xi32> -> vector<16xf32>
        %parallel_loop3A_164 = arith.addf %parallel_loop3A_153, %parallel_loop3A_163 : vector<16xf32>
        %parallel_loop3A_165 = arith.constant 0 : i32
        %parallel_loop3A_166 = vector.broadcast %parallel_loop3A_165 : i32 to vector<16xi32>
        %parallel_loop3A_167 = arith.cmpi slt, %xor3A_7, %parallel_loop3A_166 : vector<16xi32>
        %parallel_loop3A_168 = arith.constant 16 : i32
        %parallel_loop3A_169 = vector.broadcast %parallel_loop3A_168 : i32 to vector<16xi32>
        %parallel_loop3A_170 = arith.addi %xor3A_7, %parallel_loop3A_169 : vector<16xi32>
        %parallel_loop3A_171 = arith.select %parallel_loop3A_167, %parallel_loop3A_170, %xor3A_7 : vector<16xi1>, vector<16xi32>
        %parallel_loop3A_172 = vector.shape_cast %parallel_loop3A_171 : vector<16xi32> to vector<16x1xi32>
        %parallel_loop3A_173 = vector.shape_cast %parallel_loop3A_172 : vector<16x1xi32> to vector<16xi32>
        %parallel_loop3A_174 = tpu.dynamic_gather %parallel_loop3A_164[%parallel_loop3A_173] in [0] : vector<16xf32>, vector<16xi32> -> vector<16xf32>
        %parallel_loop3A_175 = arith.addf %parallel_loop3A_164, %parallel_loop3A_174 : vector<16xf32>
        %parallel_loop3A_176 = arith.constant 0 : i32
        %parallel_loop3A_177 = vector.broadcast %parallel_loop3A_176 : i32 to vector<16xi32>
        %parallel_loop3A_178 = arith.cmpi slt, %xor3A_10, %parallel_loop3A_177 : vector<16xi32>
        %parallel_loop3A_179 = arith.constant 16 : i32
        %parallel_loop3A_180 = vector.broadcast %parallel_loop3A_179 : i32 to vector<16xi32>
        %parallel_loop3A_181 = arith.addi %xor3A_10, %parallel_loop3A_180 : vector<16xi32>
        %parallel_loop3A_182 = arith.select %parallel_loop3A_178, %parallel_loop3A_181, %xor3A_10 : vector<16xi1>, vector<16xi32>
        %parallel_loop3A_183 = vector.shape_cast %parallel_loop3A_182 : vector<16xi32> to vector<16x1xi32>
        %parallel_loop3A_184 = vector.shape_cast %parallel_loop3A_183 : vector<16x1xi32> to vector<16xi32>
        %parallel_loop3A_185 = tpu.dynamic_gather %parallel_loop3A_175[%parallel_loop3A_184] in [0] : vector<16xf32>, vector<16xi32> -> vector<16xf32>
        %parallel_loop3A_186 = arith.addf %parallel_loop3A_175, %parallel_loop3A_185 : vector<16xf32>
        %parallel_loop3A_187 = arith.constant 0 : i32
        %parallel_loop3A_188 = vector.broadcast %parallel_loop3A_187 : i32 to vector<16xi32>
        %parallel_loop3A_189 = arith.cmpi slt, %xor3A_13, %parallel_loop3A_188 : vector<16xi32>
        %parallel_loop3A_190 = arith.constant 16 : i32
        %parallel_loop3A_191 = vector.broadcast %parallel_loop3A_190 : i32 to vector<16xi32>
        %parallel_loop3A_192 = arith.addi %xor3A_13, %parallel_loop3A_191 : vector<16xi32>
        %parallel_loop3A_193 = arith.select %parallel_loop3A_189, %parallel_loop3A_192, %xor3A_13 : vector<16xi1>, vector<16xi32>
        %parallel_loop3A_194 = vector.shape_cast %parallel_loop3A_193 : vector<16xi32> to vector<16x1xi32>
        %parallel_loop3A_195 = vector.shape_cast %parallel_loop3A_194 : vector<16x1xi32> to vector<16xi32>
        %parallel_loop3A_196 = tpu.dynamic_gather %parallel_loop3A_186[%parallel_loop3A_195] in [0] : vector<16xf32>, vector<16xi32> -> vector<16xf32>
        %parallel_loop3A_197 = arith.addf %parallel_loop3A_186, %parallel_loop3A_196 : vector<16xf32>
        %parallel_loop3A_198 = arith.addi %mul3A_55, %parallel_loop3A_90 : i32
        %parallel_loop3A_199 = vector.broadcast %parallel_loop3A_198 : i32 to vector<16xi32>
        tpu.vector_store_idx %arg9[%parallel_loop3A_199], %parallel_loop3A_197 : memref<512xf32, #tpu.memory_space<vmem>>[vector<16xi32>], vector<16xf32>,
      } {sc.loop_unroll_factor = 4 : i64, sc.parallel_access}
      %add3A_58 = arith.constant 2 : i32
      %add3A_59 = arith.addi %add3A_42, %add3A_58 : i32
      %lt3A = arith.constant 4 : i32
      %lt3A_60 = arith.cmpi slt, %add3A_59, %lt3A : i32
      %convert_element_type3A = arith.extui %lt3A_60 : i1 to i32
      %cond3A = arith.constant 0 : i32
      %cond3A_61 = arith.cmpi ne, %convert_element_type3A, %cond3A : i32
      scf.if %cond3A_61 {
        %add3A_90 = arith.constant 2 : i32
        %add3A_91 = arith.addi %add3A_42, %add3A_90 : i32
        %mul3A_92 = arith.constant 128 : i32
        %mul3A_93 = arith.muli %add3A_91, %mul3A_92 : i32
        %add3A_94 = arith.addi %mul3A_2, %mul3A_93 : i32
        %dma_start3A_95 = arith.constant 0 : i32
        %dma_start3A_96 = tpu.memref_slice %arg2[%add3A_94, %dma_start3A_95] : memref<16384x128xf32, #tpu.memory_space<hbm>> -> memref<128x128xf32, #tpu.memory_space<hbm>>
        %dma_start3A_97 = arith.constant 0 : i32
        %dma_start3A_98 = tpu.memref_slice %arg2[%add3A_94, %dma_start3A_97] : memref<16384x128xf32, #tpu.memory_space<hbm>> -> memref<128x128xf32, #tpu.memory_space<hbm>>
        tpu.enqueue_dma source(%dma_start3A_98 : memref<128x128xf32, #tpu.memory_space<hbm>>) target(%arg5 : memref<128x128xf32, #tpu.memory_space<vmem>>) target_semaphore(%arg10 : memref<!tpu.dma_semaphore, #tpu.memory_space<semaphore_mem>>)
        %dma_start3A_99 = arith.constant 0 : i32
        %dma_start3A_100 = tpu.memref_slice %arg3[%add3A_94, %dma_start3A_99] : memref<16384x128xf32, #tpu.memory_space<hbm>> -> memref<128x128xf32, #tpu.memory_space<hbm>>
        %dma_start3A_101 = arith.constant 0 : i32
        %dma_start3A_102 = tpu.memref_slice %arg3[%add3A_94, %dma_start3A_101] : memref<16384x128xf32, #tpu.memory_space<hbm>> -> memref<128x128xf32, #tpu.memory_space<hbm>>
        tpu.enqueue_dma source(%dma_start3A_102 : memref<128x128xf32, #tpu.memory_space<hbm>>) target(%arg6 : memref<128x128xf32, #tpu.memory_space<vmem>>) target_semaphore(%arg10 : memref<!tpu.dma_semaphore, #tpu.memory_space<semaphore_mem>>)
      } else {
      }
      %mul3A_62 = arith.constant 2 : i32
      %mul3A_63 = arith.muli %scan3A_38, %mul3A_62 : i32
      %add3A_64 = arith.constant 1 : i32
      %add3A_65 = arith.addi %mul3A_63, %add3A_64 : i32
      %dma_wait3A_66 = arith.constant 0 : i32
      %dma_wait3A_67 = arith.constant 0 : i32
      %dma_wait3A_68 = tpu.memref_slice %arg2[%dma_wait3A_66, %dma_wait3A_67] : memref<16384x128xf32, #tpu.memory_space<hbm>> -> memref<128x128xf32, #tpu.memory_space<hbm>>
      %dma_wait3A_69 = arith.constant 0 : i32
      %dma_wait3A_70 = arith.constant 0 : i32
      %dma_wait3A_71 = tpu.memref_slice %arg2[%dma_wait3A_69, %dma_wait3A_70] : memref<16384x128xf32, #tpu.memory_space<hbm>> -> memref<128x128xf32, #tpu.memory_space<hbm>>
      tpu.wait_dma2 semaphore(%arg11 : memref<!tpu.dma_semaphore, #tpu.memory_space<semaphore_mem>>) src(%dma_wait3A_71 : memref<128x128xf32, #tpu.memory_space<hbm>>) dst(%arg7 : memref<128x128xf32, #tpu.memory_space<vmem>>)
      %dma_wait3A_72 = arith.constant 0 : i32
      %dma_wait3A_73 = arith.constant 0 : i32
      %dma_wait3A_74 = tpu.memref_slice %arg3[%dma_wait3A_72, %dma_wait3A_73] : memref<16384x128xf32, #tpu.memory_space<hbm>> -> memref<128x128xf32, #tpu.memory_space<hbm>>
      %dma_wait3A_75 = arith.constant 0 : i32
      %dma_wait3A_76 = arith.constant 0 : i32
      %dma_wait3A_77 = tpu.memref_slice %arg3[%dma_wait3A_75, %dma_wait3A_76] : memref<16384x128xf32, #tpu.memory_space<hbm>> -> memref<128x128xf32, #tpu.memory_space<hbm>>
      tpu.wait_dma2 semaphore(%arg11 : memref<!tpu.dma_semaphore, #tpu.memory_space<semaphore_mem>>) src(%dma_wait3A_77 : memref<128x128xf32, #tpu.memory_space<hbm>>) dst(%arg8 : memref<128x128xf32, #tpu.memory_space<vmem>>)
      %mul3A_78 = arith.constant 128 : i32
      %mul3A_79 = arith.muli %add3A_65, %mul3A_78 : i32
      %parallel_loop3A_80 = arith.constant 0 : i32
      %parallel_loop3A_81 = arith.constant 128 : i32
      %parallel_loop3A_82 = arith.constant 1 : i32
      scf.for %parallel_loop3A_90 = %parallel_loop3A_80 to %parallel_loop3A_81 step %parallel_loop3A_82  : i32 {
        %parallel_loop3A_91 = arith.index_cast %parallel_loop3A_90 : i32 to index
        %parallel_loop3A_92 = arith.constant 0 : index
        %parallel_loop3A_93 = tpu.vector_load %arg7[%parallel_loop3A_91, %parallel_loop3A_92] {strides = array<i32>} : memref<128x128xf32, #tpu.memory_space<vmem>>, vector<16xf32>,
        %parallel_loop3A_94 = arith.index_cast %parallel_loop3A_90 : i32 to index
        %parallel_loop3A_95 = arith.constant 0 : index
        %parallel_loop3A_96 = tpu.vector_load %arg8[%parallel_loop3A_94, %parallel_loop3A_95] {strides = array<i32>} : memref<128x128xf32, #tpu.memory_space<vmem>>, vector<16xf32>,
        %parallel_loop3A_97 = arith.mulf %parallel_loop3A_93, %parallel_loop3A_96 : vector<16xf32>
        %parallel_loop3A_98 = arith.index_cast %parallel_loop3A_90 : i32 to index
        %parallel_loop3A_99 = arith.constant 16 : index
        %parallel_loop3A_100 = tpu.vector_load %arg7[%parallel_loop3A_98, %parallel_loop3A_99] {strides = array<i32>} : memref<128x128xf32, #tpu.memory_space<vmem>>, vector<16xf32>,
        %parallel_loop3A_101 = arith.index_cast %parallel_loop3A_90 : i32 to index
        %parallel_loop3A_102 = arith.constant 16 : index
        %parallel_loop3A_103 = tpu.vector_load %arg8[%parallel_loop3A_101, %parallel_loop3A_102] {strides = array<i32>} : memref<128x128xf32, #tpu.memory_space<vmem>>, vector<16xf32>,
        %parallel_loop3A_104 = arith.mulf %parallel_loop3A_100, %parallel_loop3A_103 : vector<16xf32>
        %parallel_loop3A_105 = arith.addf %parallel_loop3A_97, %parallel_loop3A_104 : vector<16xf32>
        %parallel_loop3A_106 = arith.index_cast %parallel_loop3A_90 : i32 to index
        %parallel_loop3A_107 = arith.constant 32 : index
        %parallel_loop3A_108 = tpu.vector_load %arg7[%parallel_loop3A_106, %parallel_loop3A_107] {strides = array<i32>} : memref<128x128xf32, #tpu.memory_space<vmem>>, vector<16xf32>,
        %parallel_loop3A_109 = arith.index_cast %parallel_loop3A_90 : i32 to index
        %parallel_loop3A_110 = arith.constant 32 : index
        %parallel_loop3A_111 = tpu.vector_load %arg8[%parallel_loop3A_109, %parallel_loop3A_110] {strides = array<i32>} : memref<128x128xf32, #tpu.memory_space<vmem>>, vector<16xf32>,
        %parallel_loop3A_112 = arith.mulf %parallel_loop3A_108, %parallel_loop3A_111 : vector<16xf32>
        %parallel_loop3A_113 = arith.addf %parallel_loop3A_105, %parallel_loop3A_112 : vector<16xf32>
        %parallel_loop3A_114 = arith.index_cast %parallel_loop3A_90 : i32 to index
        %parallel_loop3A_115 = arith.constant 48 : index
        %parallel_loop3A_116 = tpu.vector_load %arg7[%parallel_loop3A_114, %parallel_loop3A_115] {strides = array<i32>} : memref<128x128xf32, #tpu.memory_space<vmem>>, vector<16xf32>,
        %parallel_loop3A_117 = arith.index_cast %parallel_loop3A_90 : i32 to index
        %parallel_loop3A_118 = arith.constant 48 : index
        %parallel_loop3A_119 = tpu.vector_load %arg8[%parallel_loop3A_117, %parallel_loop3A_118] {strides = array<i32>} : memref<128x128xf32, #tpu.memory_space<vmem>>, vector<16xf32>,
        %parallel_loop3A_120 = arith.mulf %parallel_loop3A_116, %parallel_loop3A_119 : vector<16xf32>
        %parallel_loop3A_121 = arith.addf %parallel_loop3A_113, %parallel_loop3A_120 : vector<16xf32>
        %parallel_loop3A_122 = arith.index_cast %parallel_loop3A_90 : i32 to index
        %parallel_loop3A_123 = arith.constant 64 : index
        %parallel_loop3A_124 = tpu.vector_load %arg7[%parallel_loop3A_122, %parallel_loop3A_123] {strides = array<i32>} : memref<128x128xf32, #tpu.memory_space<vmem>>, vector<16xf32>,
        %parallel_loop3A_125 = arith.index_cast %parallel_loop3A_90 : i32 to index
        %parallel_loop3A_126 = arith.constant 64 : index
        %parallel_loop3A_127 = tpu.vector_load %arg8[%parallel_loop3A_125, %parallel_loop3A_126] {strides = array<i32>} : memref<128x128xf32, #tpu.memory_space<vmem>>, vector<16xf32>,
        %parallel_loop3A_128 = arith.mulf %parallel_loop3A_124, %parallel_loop3A_127 : vector<16xf32>
        %parallel_loop3A_129 = arith.addf %parallel_loop3A_121, %parallel_loop3A_128 : vector<16xf32>
        %parallel_loop3A_130 = arith.index_cast %parallel_loop3A_90 : i32 to index
        %parallel_loop3A_131 = arith.constant 80 : index
        %parallel_loop3A_132 = tpu.vector_load %arg7[%parallel_loop3A_130, %parallel_loop3A_131] {strides = array<i32>} : memref<128x128xf32, #tpu.memory_space<vmem>>, vector<16xf32>,
        %parallel_loop3A_133 = arith.index_cast %parallel_loop3A_90 : i32 to index
        %parallel_loop3A_134 = arith.constant 80 : index
        %parallel_loop3A_135 = tpu.vector_load %arg8[%parallel_loop3A_133, %parallel_loop3A_134] {strides = array<i32>} : memref<128x128xf32, #tpu.memory_space<vmem>>, vector<16xf32>,
        %parallel_loop3A_136 = arith.mulf %parallel_loop3A_132, %parallel_loop3A_135 : vector<16xf32>
        %parallel_loop3A_137 = arith.addf %parallel_loop3A_129, %parallel_loop3A_136 : vector<16xf32>
        %parallel_loop3A_138 = arith.index_cast %parallel_loop3A_90 : i32 to index
        %parallel_loop3A_139 = arith.constant 96 : index
        %parallel_loop3A_140 = tpu.vector_load %arg7[%parallel_loop3A_138, %parallel_loop3A_139] {strides = array<i32>} : memref<128x128xf32, #tpu.memory_space<vmem>>, vector<16xf32>,
        %parallel_loop3A_141 = arith.index_cast %parallel_loop3A_90 : i32 to index
        %parallel_loop3A_142 = arith.constant 96 : index
        %parallel_loop3A_143 = tpu.vector_load %arg8[%parallel_loop3A_141, %parallel_loop3A_142] {strides = array<i32>} : memref<128x128xf32, #tpu.memory_space<vmem>>, vector<16xf32>,
        %parallel_loop3A_144 = arith.mulf %parallel_loop3A_140, %parallel_loop3A_143 : vector<16xf32>
        %parallel_loop3A_145 = arith.addf %parallel_loop3A_137, %parallel_loop3A_144 : vector<16xf32>
        %parallel_loop3A_146 = arith.index_cast %parallel_loop3A_90 : i32 to index
        %parallel_loop3A_147 = arith.constant 112 : index
        %parallel_loop3A_148 = tpu.vector_load %arg7[%parallel_loop3A_146, %parallel_loop3A_147] {strides = array<i32>} : memref<128x128xf32, #tpu.memory_space<vmem>>, vector<16xf32>,
        %parallel_loop3A_149 = arith.index_cast %parallel_loop3A_90 : i32 to index
        %parallel_loop3A_150 = arith.constant 112 : index
        %parallel_loop3A_151 = tpu.vector_load %arg8[%parallel_loop3A_149, %parallel_loop3A_150] {strides = array<i32>} : memref<128x128xf32, #tpu.memory_space<vmem>>, vector<16xf32>,
        %parallel_loop3A_152 = arith.mulf %parallel_loop3A_148, %parallel_loop3A_151 : vector<16xf32>
        %parallel_loop3A_153 = arith.addf %parallel_loop3A_145, %parallel_loop3A_152 : vector<16xf32>
        %parallel_loop3A_154 = arith.constant 0 : i32
        %parallel_loop3A_155 = vector.broadcast %parallel_loop3A_154 : i32 to vector<16xi32>
        %parallel_loop3A_156 = arith.cmpi slt, %xor3A_4, %parallel_loop3A_155 : vector<16xi32>
        %parallel_loop3A_157 = arith.constant 16 : i32
        %parallel_loop3A_158 = vector.broadcast %parallel_loop3A_157 : i32 to vector<16xi32>
        %parallel_loop3A_159 = arith.addi %xor3A_4, %parallel_loop3A_158 : vector<16xi32>
        %parallel_loop3A_160 = arith.select %parallel_loop3A_156, %parallel_loop3A_159, %xor3A_4 : vector<16xi1>, vector<16xi32>
        %parallel_loop3A_161 = vector.shape_cast %parallel_loop3A_160 : vector<16xi32> to vector<16x1xi32>
        %parallel_loop3A_162 = vector.shape_cast %parallel_loop3A_161 : vector<16x1xi32> to vector<16xi32>
        %parallel_loop3A_163 = tpu.dynamic_gather %parallel_loop3A_153[%parallel_loop3A_162] in [0] : vector<16xf32>, vector<16xi32> -> vector<16xf32>
        %parallel_loop3A_164 = arith.addf %parallel_loop3A_153, %parallel_loop3A_163 : vector<16xf32>
        %parallel_loop3A_165 = arith.constant 0 : i32
        %parallel_loop3A_166 = vector.broadcast %parallel_loop3A_165 : i32 to vector<16xi32>
        %parallel_loop3A_167 = arith.cmpi slt, %xor3A_7, %parallel_loop3A_166 : vector<16xi32>
        %parallel_loop3A_168 = arith.constant 16 : i32
        %parallel_loop3A_169 = vector.broadcast %parallel_loop3A_168 : i32 to vector<16xi32>
        %parallel_loop3A_170 = arith.addi %xor3A_7, %parallel_loop3A_169 : vector<16xi32>
        %parallel_loop3A_171 = arith.select %parallel_loop3A_167, %parallel_loop3A_170, %xor3A_7 : vector<16xi1>, vector<16xi32>
        %parallel_loop3A_172 = vector.shape_cast %parallel_loop3A_171 : vector<16xi32> to vector<16x1xi32>
        %parallel_loop3A_173 = vector.shape_cast %parallel_loop3A_172 : vector<16x1xi32> to vector<16xi32>
        %parallel_loop3A_174 = tpu.dynamic_gather %parallel_loop3A_164[%parallel_loop3A_173] in [0] : vector<16xf32>, vector<16xi32> -> vector<16xf32>
        %parallel_loop3A_175 = arith.addf %parallel_loop3A_164, %parallel_loop3A_174 : vector<16xf32>
        %parallel_loop3A_176 = arith.constant 0 : i32
        %parallel_loop3A_177 = vector.broadcast %parallel_loop3A_176 : i32 to vector<16xi32>
        %parallel_loop3A_178 = arith.cmpi slt, %xor3A_10, %parallel_loop3A_177 : vector<16xi32>
        %parallel_loop3A_179 = arith.constant 16 : i32
        %parallel_loop3A_180 = vector.broadcast %parallel_loop3A_179 : i32 to vector<16xi32>
        %parallel_loop3A_181 = arith.addi %xor3A_10, %parallel_loop3A_180 : vector<16xi32>
        %parallel_loop3A_182 = arith.select %parallel_loop3A_178, %parallel_loop3A_181, %xor3A_10 : vector<16xi1>, vector<16xi32>
        %parallel_loop3A_183 = vector.shape_cast %parallel_loop3A_182 : vector<16xi32> to vector<16x1xi32>
        %parallel_loop3A_184 = vector.shape_cast %parallel_loop3A_183 : vector<16x1xi32> to vector<16xi32>
        %parallel_loop3A_185 = tpu.dynamic_gather %parallel_loop3A_175[%parallel_loop3A_184] in [0] : vector<16xf32>, vector<16xi32> -> vector<16xf32>
        %parallel_loop3A_186 = arith.addf %parallel_loop3A_175, %parallel_loop3A_185 : vector<16xf32>
        %parallel_loop3A_187 = arith.constant 0 : i32
        %parallel_loop3A_188 = vector.broadcast %parallel_loop3A_187 : i32 to vector<16xi32>
        %parallel_loop3A_189 = arith.cmpi slt, %xor3A_13, %parallel_loop3A_188 : vector<16xi32>
        %parallel_loop3A_190 = arith.constant 16 : i32
        %parallel_loop3A_191 = vector.broadcast %parallel_loop3A_190 : i32 to vector<16xi32>
        %parallel_loop3A_192 = arith.addi %xor3A_13, %parallel_loop3A_191 : vector<16xi32>
        %parallel_loop3A_193 = arith.select %parallel_loop3A_189, %parallel_loop3A_192, %xor3A_13 : vector<16xi1>, vector<16xi32>
        %parallel_loop3A_194 = vector.shape_cast %parallel_loop3A_193 : vector<16xi32> to vector<16x1xi32>
        %parallel_loop3A_195 = vector.shape_cast %parallel_loop3A_194 : vector<16x1xi32> to vector<16xi32>
        %parallel_loop3A_196 = tpu.dynamic_gather %parallel_loop3A_186[%parallel_loop3A_195] in [0] : vector<16xf32>, vector<16xi32> -> vector<16xf32>
        %parallel_loop3A_197 = arith.addf %parallel_loop3A_186, %parallel_loop3A_196 : vector<16xf32>
        %parallel_loop3A_198 = arith.addi %mul3A_79, %parallel_loop3A_90 : i32
        %parallel_loop3A_199 = vector.broadcast %parallel_loop3A_198 : i32 to vector<16xi32>
        tpu.vector_store_idx %arg9[%parallel_loop3A_199], %parallel_loop3A_197 : memref<512xf32, #tpu.memory_space<vmem>>[vector<16xi32>], vector<16xf32>,
      } {sc.loop_unroll_factor = 4 : i64, sc.parallel_access}
      %add3A_83 = arith.constant 2 : i32
      %add3A_84 = arith.addi %add3A_65, %add3A_83 : i32
      %lt3A_85 = arith.constant 4 : i32
      %lt3A_86 = arith.cmpi slt, %add3A_84, %lt3A_85 : i32
      %convert_element_type3A_87 = arith.extui %lt3A_86 : i1 to i32
      %cond3A_88 = arith.constant 0 : i32
      %cond3A_89 = arith.cmpi ne, %convert_element_type3A_87, %cond3A_88 : i32
      scf.if %cond3A_89 {
        %add3A_90 = arith.constant 2 : i32
        %add3A_91 = arith.addi %add3A_65, %add3A_90 : i32
        %mul3A_92 = arith.constant 128 : i32
        %mul3A_93 = arith.muli %add3A_91, %mul3A_92 : i32
        %add3A_94 = arith.addi %mul3A_2, %mul3A_93 : i32
        %dma_start3A_95 = arith.constant 0 : i32
        %dma_start3A_96 = tpu.memref_slice %arg2[%add3A_94, %dma_start3A_95] : memref<16384x128xf32, #tpu.memory_space<hbm>> -> memref<128x128xf32, #tpu.memory_space<hbm>>
        %dma_start3A_97 = arith.constant 0 : i32
        %dma_start3A_98 = tpu.memref_slice %arg2[%add3A_94, %dma_start3A_97] : memref<16384x128xf32, #tpu.memory_space<hbm>> -> memref<128x128xf32, #tpu.memory_space<hbm>>
        tpu.enqueue_dma source(%dma_start3A_98 : memref<128x128xf32, #tpu.memory_space<hbm>>) target(%arg7 : memref<128x128xf32, #tpu.memory_space<vmem>>) target_semaphore(%arg11 : memref<!tpu.dma_semaphore, #tpu.memory_space<semaphore_mem>>)
        %dma_start3A_99 = arith.constant 0 : i32
        %dma_start3A_100 = tpu.memref_slice %arg3[%add3A_94, %dma_start3A_99] : memref<16384x128xf32, #tpu.memory_space<hbm>> -> memref<128x128xf32, #tpu.memory_space<hbm>>
        %dma_start3A_101 = arith.constant 0 : i32
        %dma_start3A_102 = tpu.memref_slice %arg3[%add3A_94, %dma_start3A_101] : memref<16384x128xf32, #tpu.memory_space<hbm>> -> memref<128x128xf32, #tpu.memory_space<hbm>>
        tpu.enqueue_dma source(%dma_start3A_102 : memref<128x128xf32, #tpu.memory_space<hbm>>) target(%arg8 : memref<128x128xf32, #tpu.memory_space<vmem>>) target_semaphore(%arg11 : memref<!tpu.dma_semaphore, #tpu.memory_space<semaphore_mem>>)
      } else {
      }
    }
    %scan3A_37 = arith.constant 2 : i32
    "tpu.region"() ({
      %run_scoped3A = tpu.sem_alloc : memref<!tpu.dma_semaphore, #tpu.memory_space<semaphore_mem>>
      %dma_start3A_38 = tpu.memref_slice %arg4[%mul3A_2] : memref<16384xf32, #tpu.memory_space<hbm>> -> memref<512xf32, #tpu.memory_space<hbm>>
      %dma_start3A_39 = tpu.memref_slice %arg4[%mul3A_2] : memref<16384xf32, #tpu.memory_space<hbm>> -> memref<512xf32, #tpu.memory_space<hbm>>
      tpu.enqueue_dma source(%arg9 : memref<512xf32, #tpu.memory_space<vmem>>) target(%dma_start3A_39 : memref<512xf32, #tpu.memory_space<hbm>>) target_semaphore(%run_scoped3A : memref<!tpu.dma_semaphore, #tpu.memory_space<semaphore_mem>>)
      %dma_wait3A = tpu.memref_slice %arg4[%mul3A_2] : memref<16384xf32, #tpu.memory_space<hbm>> -> memref<512xf32, #tpu.memory_space<hbm>>
      %dma_wait3A_40 = tpu.memref_slice %arg4[%mul3A_2] : memref<16384xf32, #tpu.memory_space<hbm>> -> memref<512xf32, #tpu.memory_space<hbm>>
      tpu.wait_dma2 semaphore(%run_scoped3A : memref<!tpu.dma_semaphore, #tpu.memory_space<semaphore_mem>>) src(%arg9 : memref<512xf32, #tpu.memory_space<vmem>>) dst(%dma_wait3A_40 : memref<512xf32, #tpu.memory_space<hbm>>)
      tpu.yield
    }) : () -> ()
    return
  }
}

</mosaic_0001>

<sc_bundles>
// kernel: kernel.3.cloned.1.call-start
scs
__scs_entry_jumppad:
0x0: {  	(pc) =	sbr.rel $0x88, $3  }
0x1: {  	(tag) =	ssettag $0x0;
	lr =	simm.s32 $0x1  }
0x2: {  	[smem:$0x3F9F] =	sst lr;
	_ =	strace $0xD0000000  }
0x3: {  	_ = 	snop  }
0x4: {  	_ = 	snop  }
0x5: {  	_ = 	snop  }
0x6: {  	_ = 	snop  }
0x7: {  	_ = 	snop  }
__scs_overlays_trampoline_lowered:
0x8: {  	[smem:$0x3FAE] =	sst s0  }
0x9: {  	[smem:$0x3FAF] =	sst s1  }
0xa: {  	[smem:$0x3FB0] =	sst s2  }
0xb: {  	[smem:$0x3FB1] =	sst s3  }
0xc: {  	[smem:$0x3FB2] =	sst s4  }
0xd: {  	[smem:$0x3FB3] =	sst s5  }
0xe: {  	[smem:$0x3FB4] =	sst s6  }
0xf: {  	[smem:$0x3FB5] =	sst s7  }
0x10: {  	[smem:$0x3FB6] =	sst s8  }
0x11: {  	[smem:$0x3FB7] =	sst s9;
	s0 =	simm.s32 @!p0 $0x0  }
0x12: {  	s1 =	sld [smem:$0x3F9D];
	s0 =	simm.s32 @p0 $0x1  }
0x13: {  	[smem:$0x3FB8] =	sst s0;
	s0 =	simm.s32 @!p1 $0x0  }
0x14: {  	s2 =	sld [smem:$0x3F9C];
	s0 =	simm.s32 @p1 $0x1  }
0x15: {  	[smem:$0x3FB9] =	sst s0;
	s0 =	simm.s32 @!p2 $0x0  }
0x16: {  	s3 =	sld [smem:$0x3FDB];
	s0 =	simm.s32 @p2 $0x1  }
0x17: {  	s4 =	simm.s32 $0x1BF5;
	[smem:$0x3FBB] =	sst s0  }
0x18: {  	s0 =	sld [smem:$0x3F9E];
	_ =	swait.ge [sflag:s4], $0x0  }
0x19: {  	s7 =	sld [smem:$0x3F9F]  }
0x1a: {  	s8 =	sadd.s32 $0xFFFFE003, lr  }
0x1b: {  	s9 =	sadd.s32 $0xFFFFFEF7, lr;
	s5 =	simm.s32 $0xFFFFFFFF;
	p2 =	slt.u32 s8, $0xFFFFF086  }
0x1c: {  	p1 =	slt.u32 s9, $0xF7A;
	s5 =	simm.s32 @!p2 $0x0  }
0x1d: {  	s5 =	simm.s32 @p1 $0x1;
	p0 =	seq.s32 s7, s2  }
0x1e: {  	s7 =	smul.u32 @!p0 $0xF7A, s2;
	p2 =	seq.s32 @!p0 s5, $0x0  }
0x1f: {  	s9 =	smul.u32 $0xF7A, s1;
	s8 =	simm.s32 @!p0 $0x1BF5;
	p2 =	por !p2, p0  }
0x20: {  	[sflag:s8] =	ssyncset.s32 @!p0 $0xFFFFF086;
	s6 =	sadd.s32 @!p0 s3, s7;
	s7 =	simm.s32 @!p0 $0x108  }
0x21: {  	s3 =	sadd.s32 s3, s9;
	s6 =	sadd.s32 @!p0 $0x88, s6;
	s7 =	simm.s32 @p2 $0x1082  }
0x22: {  	[simem:s7], [sflag:s8] =	dma.local @!p0 [hbm:s6], $0xF7A  }
0x23: {  	s9 =	sor.u32 $0xD0000000, s2;
	s6 =	simm.s32 $0x108;
	_ =	swait.ge @!p0 [sflag:s8], $0x0  }
0x24: {  	s3 =	sadd.s32 $0x88, s3;
	s6 =	simm.s32 @!p1 $0x1082;
	[sflag:s4] =	ssyncset.s32 $0xFFFFF086  }
0x25: {  	[simem:s6], [sflag:s4] =	dma.local [hbm:s3], $0xF7A  }
0x26: {  	[smem:$0x3F9F] =	sst s1;
	(tag) =	ssettag s2;
	_ =	strace s9  }
0x27: {  	s1 =	sld [smem:$0x3FAF]  }
0x28: {  	s2 =	sld [smem:$0x3FB0]  }
0x29: {  	s4 =	sld [smem:$0x3FB2]  }
0x2a: {  	p0 =	seq.s32 s5, $0x0;
	s5 =	sld [smem:$0x3FB3]  }
0x2b: {  	s6 =	sld [smem:$0x3FB4]  }
0x2c: {  	s7 =	sld [smem:$0x3FB5]  }
0x2d: {  	s3 =	simm.s32 $0x108;
	s8 =	sld [smem:$0x3FB6]  }
0x2e: {  	s3 =	simm.s32 @!p0 $0x1082;
	s9 =	sld [smem:$0x3FB7]  }
0x2f: {  	lr =	sadd.s32 s0, s3;
	s0 =	sld [smem:$0x3FAE]  }
0x30: {  	s3 =	sld [smem:$0x3FB1]  }
0x31: {  	[smem:$0x3FBA] =	sst s10  }
0x32: {  	s10 =	sld [smem:$0x3FB8];
	_ =	sdelay $0x3  }
0x33: {  	p0 =	seq.s32 s10, $0x1;
	s10 =	sld [smem:$0x3FBA];
	_ =	sdelay $0x3  }
0x34: {  	[smem:$0x3FBA] =	sst s10  }
0x35: {  	s10 =	sld [smem:$0x3FB9];
	_ =	sdelay $0x3  }
0x36: {  	p1 =	seq.s32 s10, $0x1;
	s10 =	sld [smem:$0x3FBA];
	_ =	sdelay $0x3  }
0x37: {  	[smem:$0x3FBA] =	sst s10  }
0x38: {  	s10 =	sld [smem:$0x3FBB]  }
0x39: {  	_ = 	snop;
	(pc) =	sbr.ind lr, $3  }
0x3a: {  	_ = 	snop  }
0x3b: {  	_ = 	snop  }
0x3c: {  	p2 =	seq.s32 s10, $0x1;
	s10 =	sld [smem:$0x3FBA]  }
0x3d: {  	_ =	shalt  }
0x3e: {  	_ =	shalt  }
0x3f: {  	_ =	shalt  }
0x40: {  	_ =	shalt  }
0x41: {  	_ =	shalt  }
0x42: {  	_ =	shalt  }
0x43: {  	_ =	shalt  }
0x44: {  	_ =	shalt  }
0x45: {  	_ =	shalt  }
0x46: {  	_ =	shalt  }
0x47: {  	_ =	shalt  }
0x48: {  	_ =	shalt  }
0x49: {  	_ =	shalt  }
0x4a: {  	_ =	shalt  }
0x4b: {  	_ =	shalt  }
0x4c: {  	_ =	shalt  }
0x4d: {  	_ =	shalt  }
0x4e: {  	_ =	shalt  }
0x4f: {  	_ =	shalt  }
0x50: {  	_ =	shalt  }
0x51: {  	_ =	shalt  }
0x52: {  	_ =	shalt  }
0x53: {  	_ =	shalt  }
0x54: {  	_ =	shalt  }
0x55: {  	_ =	shalt  }
0x56: {  	_ =	shalt  }
0x57: {  	_ =	shalt  }
0x58: {  	_ =	shalt  }
0x59: {  	_ =	shalt  }
0x5a: {  	_ =	shalt  }
0x5b: {  	_ =	shalt  }
0x5c: {  	_ =	shalt  }
0x5d: {  	_ =	shalt  }
0x5e: {  	_ =	shalt  }
0x5f: {  	_ =	shalt  }
0x60: {  	_ =	shalt  }
0x61: {  	_ =	shalt  }
0x62: {  	_ =	shalt  }
0x63: {  	_ =	shalt  }
0x64: {  	_ =	shalt  }
0x65: {  	_ =	shalt  }
0x66: {  	_ =	shalt  }
0x67: {  	_ =	shalt  }
0x68: {  	_ =	shalt  }
0x69: {  	_ =	shalt  }
0x6a: {  	_ =	shalt  }
0x6b: {  	_ =	shalt  }
0x6c: {  	_ =	shalt  }
0x6d: {  	_ =	shalt  }
0x6e: {  	_ =	shalt  }
0x6f: {  	_ =	shalt  }
0x70: {  	_ =	shalt  }
0x71: {  	_ =	shalt  }
0x72: {  	_ =	shalt  }
0x73: {  	_ =	shalt  }
0x74: {  	_ =	shalt  }
0x75: {  	_ =	shalt  }
0x76: {  	_ =	shalt  }
0x77: {  	_ =	shalt  }
0x78: {  	_ =	shalt  }
0x79: {  	_ =	shalt  }
0x7a: {  	_ =	shalt  }
0x7b: {  	_ =	shalt  }
0x7c: {  	_ =	shalt  }
0x7d: {  	_ =	shalt  }
0x7e: {  	_ =	shalt  }
0x7f: {  	_ =	shalt  }
0x80: {  	_ =	shalt  }
0x81: {  	_ =	shalt  }
0x82: {  	_ =	shalt  }
0x83: {  	_ =	shalt  }
0x84: {  	_ =	shalt  }
0x85: {  	_ =	shalt  }
0x86: {  	_ =	shalt  }
0x87: {  	_ =	shalt  }
.Lfunc_end0:
.L_simem_size_0:
called_computation_lowered:
.L_overlay_start_0:
0x88: {  	s2 =	sld [smem:$0x3FD9]  }
0x89: {  	s3 =	sld [smem:$0x3FFE];
	_ =	sdelay $0x1  }
0x8a: {  	s1 =	srdreg.scid  }
0x8b: {  	s0 =	sand.u32 $0x1, s1  }
0x8c: {  	s18 =	sshll.u32 s0, $0xA;
	s2 =	sadd.s32 s3, s2  }
0x8d: {  	s2 =	sadd.s32 s2, s18  }
0x8e: {  	[smem:$0x3FC6] =	sst s2  }
0x8f: {  	_ = 	snop  }
0x90: {  	s2 =	sld [smem:$0x3FC9]  }
0x91: {  	s19 =	sld [smem:$0x3FC8]  }
0x92: {  	s4 =	sld [smem:$0x3FD0];
	(tm) =	ssettm $0x1  }
0x93: {  	s5 =	sld [smem:$0x3FFB];
	_ =	sdelay $0x3  }
0x94: {  	_ =	strace s5  }
0x95: {  	s5 =	sld [smem:$0x3FFC];
	_ =	sdelay $0x3  }
0x96: {  	_ =	strace s5  }
0x97: {  	s5 =	sld [smem:$0x3FFD];
	_ =	sdelay $0x3  }
0x98: {  	_ =	strace s5  }
0x99: {  	_ =	strace $0x8FFFFFFF  }
0x9a: {  	s20 =	sld [smem:$0x3FDB];
	_ =	sdelay $0x1  }
0x9b: {  	s6 =	simm.s32 $_scs_section_size  }
0x9c: {  	s7 =	simm.s32 $_size__tile_overlayer_lowered;
	s8 =	simm.s32 $_tile_overlayer_lowered  }
0x9d: {  	s23 =	simm.s32 $0x1BFF;
	s22 =	sshll.u32 s8, $0x1;
	s5 =	sadd.s32 s6, s20  }
0x9e: {  	s9 =	simm.s32 $0x0;
	s21 =	sshll.u32 s7, $0x1;
	s7 =	sadd.s32 s22, s5  }
0x9f: {  	[timem:s9], [sflag:s23] =	dma.local [hbm:s7], s21  }
0xa0: {  	_ =	swait.ge [sflag:s23], s21  }
0xa1: {  	s6 =	ssub.s32 $0x0, s21;
	[sflag:s23] =	ssyncset.done $0x0  }
0xa2: {  	[sflag:s23] =	ssyncadd.s32 s6;
	_ =	sdelay $0x1  }
0xa3: {  	s24 =	simm.s32 $0x1B8B  }
0xa4: {  	_ =	swait.ge [sflag:s24], $0x1  }
0xa5: {  	[sflag:s24] =	ssyncset.done $0x0  }
0xa6: {  	s25 =	simm.s32 $0x1B8E;
	[sflag:s24] =	ssyncadd.s32 $0xFFFFFFFF  }
0xa7: {  	s26 =	simm.s32 $execute0_lowered;
	[smem:$0x3FD2] =	sst s25  }
0xa8: {  	s6 =	sshll.u32 s26, $0x1;
	_ =	strace $0x80000046;
	[dreg:$0x1] =	wrdreg $0xFFFFFFFF  }
0xa9: {  	s28 =	simm.s32 $_size_execute0_lowered;
	s5 =	sadd.s32 s5, s6;
	[dreg:$0x0] =	wrdreg $0x0  }
0xaa: {  	s6 =	sshll.u32 s28, $0x1;
	[dreg:$0x2] =	wrdreg s5  }
0xab: {  	[dreg:$0x3] =	wrdreg s6  }
0xac: {  	[dreg:$0x4] =	wrdreg $0xC0  }
0xad: {  	_ =	task [dreg:s9], $0x5FFFF  }
0xae: {  	[dreg:$0x1] =	wrdreg $0xFFFFFFFF  }
0xaf: {  	[dreg:$0x0] =	wrdreg $0x60  }
0xb0: {  	[dreg:$0x2] =	wrdreg s2  }
0xb1: {  	[dreg:$0x3] =	wrdreg s19  }
0xb2: {  	[dreg:$0x4] =	wrdreg s4  }
0xb3: {  	[dreg:$0x5] =	wrdreg $0x9  }
0xb4: {  	_ =	task.clear_ibuf [dreg:s9], $0x6FFFF;
	_ =	strace $0x90000046  }
0xb5: {  	s29 =	simm.s32 $0x9;
	_ =	strace $0x80000048  }
0xb6: {  	_ =	swait.ge [sflag:s29], $0x1  }
0xb7: {  	[sflag:s29] =	ssyncadd.s32 $0xFFFFFFFF  }
0xb8: {  	_ =	strace $0x90000048  }
0xb9: {  	_ =	sfence  }
0xba: {  	s30 =	sld [smem:$0x0];
	_ =	sdelay $0x2  }
0xbb: {  	s31 =	sshll.u32 s1, $0xD;
	s1 =	sshrl.u32 s1, $0x2  }
0xbc: {  	s3 =	sand.u32 $0x4000, s31;
	s1 =	sadd.s32 s1, s30  }
0xbd: {  	s0 =	sor.u32 s3, s0;
	s1 =	sshll.u32 s1, $0x11  }
0xbe: {  	s0 =	sor.u32 s1, s0  }
0xbf: {  	s0 =	sadd.s32 $0x8F2B, s0  }
0xc0: {  	[sflag:s0] =	ssyncadd.remote.s32 $0x1  }
0xc1: {  	_ =	sfence.sel $0xFFFF  }
0xc2: {  	[dreg:$0x0] =	wrdreg $0xFFFFFFFF;
	(pc) =	sbr.abs _section_cstart, $3  }
0xc3: {  	[dreg:$0x1] =	wrdreg $0xFFFFFFFF  }
0xc4: {  	_ =	task.clear_ibuf [dreg:s9], $0x2FFFF;
	_ =	strace $0x9FFFFFFF  }
0xc5: {  	(tm) =	ssettm $0x7FFFFFFF  }
tec
execute0_lowered:
.L_overlay_start_1:
0x0: {  	(tag) =	ssettag $0x1  }
0x1: {  	s9 =	rddreg [dreg:$0x0]  }
0x2: {  	s10 =	rddreg [dreg:$0x1]  }
0x3: {  	s1 =	srdreg.scid;
	s11 =	rddreg [dreg:$0x2]  }
0x4: {  	v0 =	vimm.s32 $0xEFCDAB89;
	s0 =	stileid.u32;
	v1 =	vimm.s32 $0x67452301;
	s2 =	simm.s32 $0x0;
	s15 =	simm.s32 $0xC000  }
0x5: {  	v2 =	vimm.s32 $0xDCFE98BA;
	v3 =	vimm.s32 $0x54761032;
	s16 =	simm.s32 $0x1;
	s17 =	simm.s32 $0x10000;
	s18 =	simm.s32 $0x2  }
0x6: {  	v4 =	vimm.s32 $0xBA98FEDC;
	v5 =	vimm.s32 $0x32107654;
	v6 =	vimm.s32 $0xFEDCBA98;
	s19 =	simm.s32 $0x3;
	s20 =	simm.s32 $0x0;
	s3 =	sand.u32 $0x1, s1  }
0x7: {  	v7 =	vimm.s32 $0x76543210;
	v0 =	vunpack.c.l.s4.s8 v0;
	s1 =	rddreg [dreg:$0x3];
	s4 =	sshll.u32 s0, $0xA;
	v1 =	vunpack.c.l.s4.s8 v1;
	s5 =	sshll.u32 s3, $0x9  }
0x8: {  	v2 =	vunpack.c.l.s4.s8 v2;
	[smem:$0x7FF] =	sst s2;
	v3 =	vunpack.c.l.s4.s8 v3;
	v4 =	vunpack.c.l.s4.s8 v4;
	s3 =	ssub.s32 $0x2, s3;
	s12 =	sor.u32 s5, s4  }
0x9: {  	v5 =	vunpack.c.l.s4.s8 v5;
	v6 =	vunpack.c.l.s4.s8 v6;
	v7 =	vunpack.c.l.s4.s8 v7;
	_ =	strace $0x80000047;
	s31 =	sshrl.u32 s3, $0x1;
	s13 =	sshll.u32 s12, $0x4  }
0xa: {  	v0 =	vunpack.c.0.s8.s32 v0;
	v1 =	vunpack.c.0.s8.s32 v1;
	v2 =	vunpack.c.0.s8.s32 v2;
	s14 =	ssub.s32 s3, s31;
	s12 =	sshrl.u32 s12, $0x3;
	s3 =	sadd.s32 s9, s13  }
.Ltmp0:
0xb: {  	v3 =	vunpack.c.0.s8.s32 v3;
	v4 =	vunpack.c.0.s8.s32 v4;
	v5 =	vunpack.c.0.s8.s32 v5;
	s4 =	sadd.s32 s10, s13;
	s6 =	sor.u32 $0x800, s13;
	(pc) =	sbr.rel .LBB2_1-.Ltmp0, $4  }
0xc: {  	s8 =	sor.u32 $0x1000, s13;
	s13 =	sor.u32 $0x1800, s13;
	v0 =	vcombine.low v1, v0;
	s11 =	sadd.s32 s11, s12;
	v1 =	vunpack.c.0.s8.s32 v6  }
0xd: {  	v2 =	vcombine.low v3, v2;
	v3 =	vcombine.low v5, v4;
	s12 =	smax.u32 s14, $0x1;
	s14 =	simm.s32 $0x8000;
	v4 =	vunpack.c.0.s8.s32 v7;
	s5 =	sadd.s32 s9, s6  }
0xe: {  	s6 =	sadd.s32 s10, s6;
	s7 =	sadd.s32 s9, s8;
	s8 =	sadd.s32 s10, s8;
	v0 =	vand.u32 $0xF, v0;
	v5 =	vand.u32 $0xF, v1  }
0xf: {  	s9 =	sadd.s32 s9, s13;
	s10 =	sadd.s32 s10, s13;
	s13 =	simm.s32 $0x4000;
	v1 =	vand.u32 $0xF, v2;
	v2 =	vand.u32 $0xF, v3;
	v3 =	vcombine.low v5, v4  }
.LBB2_8:
0x10: {  	s20 =	sadd.s32 $0x1, s20  }
0x11: {  	p0 =	sne.s32 s20, s12  }
.Ltmp1:
0x12: {  	_ = 	snop;
	(pc) =	sbr.rel @!p0 .LBB2_9-.Ltmp1, $4  }
0x13: {  	[hbm4b:s11+s2] =	stream.linear.scatter [tilespmem:s17], [sflag:$0x3], $0x200, $0x38;
	[tilespmem:$0x10200] =	vst v63  }
0x14: {  	_ =	swait.ge [sflag:s19], $0x200  }
0x15: {  	[sflag:s19] =	ssyncset.done $0x0  }
0x16: {  	[sflag:s19] =	ssyncadd.s32 $0xFFFFFE00  }
.LBB2_1:
0x17: {  	[tilespmem:s2], [sflag:$0x1] =	stream.linear.gather [hbm4b:s3+s2], $0x4000, $0x38;
	[tilespmem:$0x10200] =	vst v63  }
0x18: {  	_ = 	snop  }
0x19: {  	[tilespmem:s13], [sflag:$0x1] =	stream.linear.gather [hbm4b:s4+s2], $0x4000, $0x38;
	[tilespmem:$0x10200] =	vst v63  }
0x1a: {  	p0 =	por $0x1, $0x1;
	s22 =	smov.u32 s6;
	s21 =	simm.s32 $0x0  }
0x1b: {  	[tilespmem:s14], [sflag:$0x2] =	stream.linear.gather [hbm4b:s5+s2], $0x4000, $0x38;
	[tilespmem:$0x10200] =	vst v63  }
.LBB2_2:
0x1c: {  	[tilespmem:s15], [sflag:$0x2] =	stream.linear.gather [hbm4b:s22+s2], $0x4000, $0x38;
	[tilespmem:$0x10200] =	vst v63  }
0x1d: {  	_ =	swait.ge [sflag:s16], $0x4000  }
0x1e: {  	[sflag:s16] =	ssyncset.done $0x0  }
0x1f: {  	[sflag:s16] =	ssyncadd.s32 $0xFFFFC000  }
0x20: {  	_ =	swait.ge [sflag:s16], $0x4000  }
0x21: {  	[sflag:s16] =	ssyncset.done $0x0  }
0x22: {  	s23 =	simm.s32 $0x100;
	[sflag:s16] =	ssyncadd.s32 $0xFFFFC000  }
0x23: {  	s22 =	simm.s32 $0x4100;
	v4 =	vld [tilespmem:s23+$0x80]  }
0x24: {  	v5 =	vld [tilespmem:s22+$0x80]  }
0x25: {  	v6 =	vld [tilespmem:s23+$0x90]  }
0x26: {  	v7 =	vld [tilespmem:s22+$0x90]  }
0x27: {  	v8 =	vld [tilespmem:s23+$0xA0]  }
0x28: {  	v9 =	vld [tilespmem:s22+$0xA0]  }
0x29: {  	v10 =	vld [tilespmem:s23+$0xB0]  }
0x2a: {  	v11 =	vld [tilespmem:s22+$0xB0]  }
0x2b: {  	v12 =	vld [tilespmem:s23+$0xC0]  }
0x2c: {  	v13 =	vld [tilespmem:s22+$0xC0]  }
0x2d: {  	v14 =	vld [tilespmem:s23+$0xD0]  }
0x2e: {  	v15 =	vld [tilespmem:s22+$0xD0]  }
0x2f: {  	v16 =	vld [tilespmem:s23+$0xE0]  }
0x30: {  	v17 =	vld [tilespmem:s22+$0xE0]  }
0x31: {  	v18 =	vld [tilespmem:s23+$0xF0]  }
0x32: {  	v19 =	vld [tilespmem:s22+$0xF0]  }
0x33: {  	v20 =	vld [tilespmem:s22+$0xFFFFFF00]  }
0x34: {  	v21 =	vld [tilespmem:s23+$0xFFFFFF10]  }
0x35: {  	v22 =	vld [tilespmem:s22+$0xFFFFFF10]  }
0x36: {  	v23 =	vld [tilespmem:s23+$0xFFFFFF80]  }
0x37: {  	v24 =	vld [tilespmem:s22+$0xFFFFFF80]  }
0x38: {  	v25 =	vld [tilespmem:s23+$0xFFFFFF90]  }
0x39: {  	v26 =	vld [tilespmem:s22+$0xFFFFFF90]  }
0x3a: {  	v27 =	vld [tilespmem:s23+$0x0]  }
0x3b: {  	v28 =	vld [tilespmem:s22+$0x30]  }
0x3c: {  	v30 =	vld [tilespmem:s23+$0xFFFFFF40];
	v4 =	vmul.f32 v5, v4;
	v5 =	vmul.f32 v7, v6  }
0x3d: {  	v31 =	vld [tilespmem:s22+$0xFFFFFF40]  }
0x3e: {  	v56 =	vld [tilespmem:s23+$0xFFFFFFC0];
	v4 =	vadd.f32 v5, v4;
	v5 =	vmul.f32 v9, v8  }
0x3f: {  	v32 =	vld [tilespmem:s22+$0xFFFFFFC0]  }
0x40: {  	v34 =	vld [tilespmem:s23+$0x40];
	v4 =	vadd.f32 v5, v4;
	v5 =	vmul.f32 v11, v10  }
0x41: {  	v57 =	vld [tilespmem:s22+$0x40]  }
0x42: {  	v59 =	vld [tilespmem:s23+$0xFFFFFF50];
	v4 =	vadd.f32 v5, v4;
	v5 =	vmul.f32 v13, v12  }
0x43: {  	v60 =	vld [tilespmem:s22+$0xFFFFFF50]  }
0x44: {  	v61 =	vld [tilespmem:s23+$0xFFFFFFD0];
	v4 =	vadd.f32 v5, v4;
	v5 =	vmul.f32 v15, v14  }
0x45: {  	v6 =	vld [tilespmem:s22+$0x0]  }
0x46: {  	v7 =	vld [tilespmem:s23+$0x10];
	v4 =	vadd.f32 v5, v4;
	v5 =	vmul.f32 v17, v16  }
0x47: {  	v8 =	vld [tilespmem:s22+$0x10]  }
0x48: {  	v9 =	vld [tilespmem:s23+$0xFFFFFF00];
	v4 =	vadd.f32 v5, v4;
	v5 =	vmul.f32 v19, v18  }
0x49: {  	v10 =	vld [tilespmem:s23+$0xFFFFFF20]  }
0x4a: {  	v11 =	vld [tilespmem:s22+$0xFFFFFF20];
	v4 =	vadd.f32 v5, v4  }
0x4b: {  	v12 =	vld [tilespmem:s23+$0xFFFFFFA0]  }
0x4c: {  	v13 =	vld [tilespmem:s22+$0xFFFFFFA0];
	v29 =	vperm.xlane v4, v0  }
0x4d: {  	v14 =	vld [tilespmem:s23+$0x20]  }
0x4e: {  	v15 =	vld [tilespmem:s22+$0x20];
	v4 =	vadd.f32 v4, v29  }
0x4f: {  	v23 =	vmul.f32 v24, v23;
	v58 =	vmul.f32 v26, v25;
	v16 =	vld [tilespmem:s23+$0xFFFFFF30]  }
0x50: {  	v17 =	vld [tilespmem:s22+$0xFFFFFF30];
	v33 =	vperm.xlane v4, v1  }
0x51: {  	v21 =	vmul.f32 v22, v21;
	v23 =	vadd.f32 v58, v23;
	v9 =	vmul.f32 v20, v9;
	v18 =	vld [tilespmem:s23+$0xFFFFFFB0]  }
0x52: {  	v6 =	vmul.f32 v6, v27;
	v7 =	vmul.f32 v8, v7;
	v5 =	vld [tilespmem:s23+$0x30];
	v4 =	vadd.f32 v4, v33  }
0x53: {  	v9 =	vadd.f32 v21, v9;
	v10 =	vmul.f32 v11, v10;
	v11 =	vmul.f32 v13, v12;
	v19 =	vld [tilespmem:s22+$0xFFFFFFB0]  }
0x54: {  	v63 =	vld [tilespmem:s22+$0x60];
	v6 =	vadd.f32 v7, v6;
	v7 =	vmul.f32 v15, v14;
	v8 =	vperm.xlane v4, v2  }
0x55: {  	v12 =	vld [tilespmem:s22+$0xFFFFFFD0];
	v9 =	vadd.f32 v10, v9;
	v10 =	vadd.f32 v11, v23;
	v11 =	vmul.f32 v17, v16  }
0x56: {  	v13 =	vld [tilespmem:s22+$0x50];
	v6 =	vadd.f32 v7, v6;
	v4 =	vadd.f32 v4, v8  }
0x57: {  	v15 =	vld [tilespmem:s23+$0xFFFFFF60];
	v9 =	vadd.f32 v11, v9;
	v11 =	vmul.f32 v31, v30;
	v5 =	vmul.f32 v28, v5  }
0x58: {  	v14 =	vmul.f32 v19, v18;
	v8 =	vld [tilespmem:s23+$0x50];
	v7 =	vperm.xlane v4, v3  }
0x59: {  	s24 =	sadd.s32 $0xFFFFFFFC, s21;
	v16 =	vld [tilespmem:s22+$0xFFFFFF60];
	v5 =	vadd.f32 v5, v6;
	v6 =	vadd.f32 v11, v9  }
0x5a: {  	s25 =	sadd.s32 $0x4, s24;
	s26 =	sadd.s32 $0x7, s24;
	v9 =	vmul.f32 v32, v56;
	v11 =	vld [tilespmem:s22+$0xFFFFFFE0];
	v4 =	vadd.f32 v4, v7;
	v7 =	vadd.f32 v14, v10  }
0x5b: {  	v62 =	vmov s26;
	v17 =	vmov s25;
	v18 =	vmul.f32 v60, v59;
	v10 =	vld [tilespmem:s23+$0xFFFFFFE0]  }
0x5c: {  	v12 =	vmul.f32 v12, v61;
	v19 =	vld [tilespmem:s23+$0x60];
	v14 =	vmul.f32 v57, v34;
	v9 =	vadd.f32 v9, v7  }
0x5d: {  	s31 =	sadd.s32 $0x5, s24;
	v18 =	vadd.f32 v18, v6;
	v6 =	vand.u32 $0xFFFFFFFC, v17;
	v13 =	vmul.f32 v13, v8;
	v7 =	vld [tilespmem:s23+$0xFFFFFF70]  }
0x5e: {  	s24 =	sadd.s32 $0x6, s24;
	v14 =	vadd.f32 v14, v5;
	v5 =	vmov s31;
	v17 =	vadd.f32 v12, v9;
	v9 =	vld [tilespmem:s22+$0xFFFFFF70]  }
0x5f: {  	v15 =	vmul.f32 v16, v15;
	v8 =	vld [tilespmem:s23+$0xFFFFFFF0];
	v5 =	vand.u32 $0xFFFFFFFD, v5;
	v12 =	vmov s24  }
0x60: {  	v14 =	vadd.f32 v13, v14;
	v16 =	vand.u32 $0xFFFFFFFE, v12;
	v11 =	vmul.f32 v11, v10;
	v12 =	vld [tilespmem:s22+$0xFFFFFFF0]  }
0x61: {  	[tilespmem:v62+s17+$0x0] =	vst.idx.msk $0xffff, v4;
	v13 =	vadd.f32 v15, v18;
	v15 =	vld [tilespmem:s22+$0x70];
	v4 =	vbroadcast v16, $0x0;
	v16 =	vmul.f32 v63, v19  }
0x62: {  	v6 =	vbroadcast v6, $0x0;
	v5 =	vbroadcast v5, $0x0;
	s24 =	simm.s32 $0x300;
	v10 =	vld [tilespmem:s23+$0x70];
	s23 =	simm.s32 $0x0;
	v11 =	vadd.f32 v11, v17  }
.LBB2_3:
0x63: {  	v17 =	vld [tilespmem:s24+$0x80];
	v7 =	vmul.f32 v9, v7;
	v9 =	vadd.f32 v16, v14;
	s22 =	sadd.s32 $0x200, s22;
	s25 =	smov.u32 s23  }
0x64: {  	v14 =	vld [tilespmem:s22+$0x80]  }
0x65: {  	v16 =	vld [tilespmem:s24+$0x90];
	v7 =	vadd.f32 v7, v13;
	v8 =	vmul.f32 v12, v8  }
0x66: {  	s23 =	sadd.s32 $0x4, s23;
	v12 =	vld [tilespmem:s22+$0x90]  }
0x67: {  	p1 =	slt.u32 s23, $0x7C;
	v13 =	vld [tilespmem:s24+$0xA0];
	v18 =	vperm.xlane v7, v0;
	v8 =	vadd.f32 v8, v11;
	v10 =	vmul.f32 v15, v10  }
0x68: {  	v11 =	vld [tilespmem:s22+$0xA0]  }
0x69: {  	v15 =	vld [tilespmem:s24+$0xB0];
	v7 =	vadd.f32 v7, v18;
	v18 =	vperm.xlane v8, v0;
	v9 =	vadd.f32 v10, v9  }
0x6a: {  	v10 =	vld [tilespmem:s22+$0xB0]  }
0x6b: {  	v14 =	vmul.f32 v14, v17;
	v12 =	vmul.f32 v12, v16;
	v16 =	vld [tilespmem:s24+$0xC0];
	v8 =	vadd.f32 v8, v18  }
0x6c: {  	v18 =	vperm.xlane v7, v1;
	v19 =	vperm.xlane v9, v0;
	v17 =	vld [tilespmem:s22+$0xC0]  }
0x6d: {  	v12 =	vadd.f32 v12, v14;
	v11 =	vmul.f32 v11, v13;
	v13 =	vld [tilespmem:s24+$0xD0];
	v14 =	vperm.xlane v8, v1  }
0x6e: {  	v7 =	vadd.f32 v7, v18;
	v9 =	vadd.f32 v9, v19;
	v20 =	vld [tilespmem:s22+$0xD0]  }
0x6f: {  	v11 =	vadd.f32 v11, v12;
	v10 =	vmul.f32 v10, v15;
	v12 =	vld [tilespmem:s24+$0xE0];
	v8 =	vadd.f32 v8, v14  }
0x70: {  	v15 =	vperm.xlane v7, v2;
	v18 =	vperm.xlane v9, v1;
	v14 =	vld [tilespmem:s22+$0xE0]  }
0x71: {  	v10 =	vadd.f32 v10, v11;
	v11 =	vmul.f32 v17, v16;
	v16 =	vld [tilespmem:s24+$0xF0];
	v17 =	vperm.xlane v8, v2  }
0x72: {  	v7 =	vadd.f32 v7, v15;
	v9 =	vadd.f32 v9, v18;
	v19 =	vld [tilespmem:s22+$0xF0]  }
0x73: {  	v15 =	vld [tilespmem:s22+$0xFFFFFF00];
	v10 =	vadd.f32 v11, v10;
	v11 =	vmul.f32 v20, v13;
	v8 =	vadd.f32 v8, v17  }
0x74: {  	v17 =	vperm.xlane v7, v3;
	v18 =	vperm.xlane v9, v2;
	v13 =	vld [tilespmem:s24+$0xFFFFFF10]  }
0x75: {  	v20 =	vld [tilespmem:s22+$0xFFFFFF10];
	v10 =	vadd.f32 v11, v10;
	v11 =	vmul.f32 v14, v12;
	v12 =	vperm.xlane v8, v3  }
0x76: {  	v7 =	vadd.f32 v7, v17;
	v9 =	vadd.f32 v9, v18;
	v14 =	vld [tilespmem:s24+$0xFFFFFF80]  }
0x77: {  	v17 =	vld [tilespmem:s22+$0xFFFFFF80];
	v10 =	vadd.f32 v11, v10;
	v11 =	vmul.f32 v19, v16;
	v8 =	vadd.f32 v8, v12  }
0x78: {  	v12 =	vld [tilespmem:s24+$0xFFFFFF90];
	[tilespmem:v6+s17+$0x0] =	vst.idx.msk $0xffff, v7;
	v6 =	vperm.xlane v9, v3  }
0x79: {  	v7 =	vld [tilespmem:s22+$0xFFFFFF90];
	v10 =	vadd.f32 v11, v10;
	[tilespmem:v5+s17+$0x0] =	vst.idx.msk $0xffff, v8  }
0x7a: {  	v5 =	vmul.f32 v20, v13;
	v8 =	vld [tilespmem:s24+$0x0];
	v6 =	vadd.f32 v9, v6  }
0x7b: {  	v9 =	vld [tilespmem:s22+$0x0];
	v11 =	vperm.xlane v10, v0  }
0x7c: {  	v13 =	vmul.f32 v17, v14;
	v14 =	vld [tilespmem:s24+$0x10];
	[tilespmem:v4+s17+$0x0] =	vst.idx.msk $0xffff, v6  }
0x7d: {  	v4 =	vld [tilespmem:s22+$0x10];
	v6 =	vadd.f32 v10, v11  }
0x7e: {  	v10 =	vld [tilespmem:s24+$0xFFFFFF00];
	v7 =	vmul.f32 v7, v12  }
0x7f: {  	v11 =	vld [tilespmem:s24+$0xFFFFFF20];
	v12 =	vperm.xlane v6, v1  }
0x80: {  	v16 =	vld [tilespmem:s22+$0xFFFFFF20];
	v7 =	vadd.f32 v7, v13;
	v8 =	vmul.f32 v9, v8  }
0x81: {  	v9 =	vld [tilespmem:s24+$0xFFFFFFA0];
	v6 =	vadd.f32 v6, v12  }
0x82: {  	v12 =	vld [tilespmem:s22+$0xFFFFFFA0];
	v4 =	vmul.f32 v4, v14  }
0x83: {  	v10 =	vmul.f32 v15, v10;
	v13 =	vld [tilespmem:s24+$0x20];
	v14 =	vperm.xlane v6, v2  }
0x84: {  	s25 =	sadd.s32 s25, s21;
	v4 =	vadd.f32 v4, v8;
	v8 =	vld [tilespmem:s22+$0x20]  }
0x85: {  	s26 =	sadd.s32 $0x4, s25;
	s28 =	sadd.s32 $0x5, s25;
	s29 =	sadd.s32 $0x7, s25;
	v5 =	vadd.f32 v5, v10;
	v10 =	vmul.f32 v16, v11;
	v11 =	vld [tilespmem:s24+$0xFFFFFF30];
	v6 =	vadd.f32 v6, v14  }
0x86: {  	s25 =	sadd.s32 $0x6, s25;
	v17 =	vmov s29;
	v15 =	vmov s26;
	v16 =	vmov s28;
	v14 =	vld [tilespmem:s22+$0xFFFFFF30]  }
0x87: {  	v10 =	vadd.f32 v10, v5;
	v5 =	vmul.f32 v12, v9;
	v9 =	vld [tilespmem:s24+$0xFFFFFFB0];
	v12 =	vperm.xlane v6, v3  }
0x88: {  	v19 =	vmov s25;
	v15 =	vand.u32 $0xFFFFFFFC, v15;
	v16 =	vand.u32 $0xFFFFFFFD, v16;
	v18 =	vld [tilespmem:s22+$0xFFFFFFB0]  }
0x89: {  	v7 =	vadd.f32 v5, v7;
	v8 =	vmul.f32 v8, v13;
	v13 =	vld [tilespmem:s24+$0x30];
	v12 =	vadd.f32 v6, v12  }
0x8a: {  	v6 =	vbroadcast v15, $0x0;
	v5 =	vbroadcast v16, $0x0;
	v16 =	vand.u32 $0xFFFFFFFE, v19;
	v15 =	vld [tilespmem:s22+$0x30]  }
0x8b: {  	v11 =	vmul.f32 v14, v11;
	v14 =	vld [tilespmem:s24+$0xFFFFFF40];
	v8 =	vadd.f32 v8, v4;
	v4 =	vbroadcast v16, $0x0;
	[tilespmem:v17+s17+$0x0] =	vst.idx.msk $0xffff, v12  }
0x8c: {  	v12 =	vld [tilespmem:s22+$0xFFFFFF40]  }
0x8d: {  	v10 =	vadd.f32 v11, v10;
	v9 =	vmul.f32 v18, v9;
	v11 =	vld [tilespmem:s24+$0xFFFFFFC0]  }
0x8e: {  	v16 =	vld [tilespmem:s22+$0xFFFFFFC0]  }
0x8f: {  	v7 =	vadd.f32 v9, v7;
	v9 =	vmul.f32 v15, v13;
	v13 =	vld [tilespmem:s24+$0x40]  }
0x90: {  	v15 =	vld [tilespmem:s22+$0x40]  }
0x91: {  	v12 =	vmul.f32 v12, v14;
	v14 =	vld [tilespmem:s24+$0xFFFFFF50];
	v8 =	vadd.f32 v9, v8  }
0x92: {  	v9 =	vld [tilespmem:s22+$0xFFFFFF50]  }
0x93: {  	v10 =	vadd.f32 v12, v10;
	v11 =	vmul.f32 v16, v11;
	v12 =	vld [tilespmem:s24+$0xFFFFFFD0]  }
0x94: {  	v16 =	vld [tilespmem:s22+$0xFFFFFFD0]  }
0x95: {  	v7 =	vadd.f32 v11, v7;
	v11 =	vmul.f32 v15, v13;
	v13 =	vld [tilespmem:s24+$0x50]  }
0x96: {  	v15 =	vld [tilespmem:s22+$0x50]  }
0x97: {  	v9 =	vmul.f32 v9, v14;
	v14 =	vld [tilespmem:s24+$0xFFFFFF60];
	v8 =	vadd.f32 v11, v8  }
0x98: {  	v11 =	vld [tilespmem:s22+$0xFFFFFF60]  }
0x99: {  	v10 =	vadd.f32 v9, v10;
	v9 =	vmul.f32 v16, v12;
	v12 =	vld [tilespmem:s24+$0xFFFFFFE0]  }
0x9a: {  	v16 =	vld [tilespmem:s22+$0xFFFFFFE0]  }
0x9b: {  	v17 =	vadd.f32 v9, v7;
	v9 =	vmul.f32 v15, v13;
	v15 =	vld [tilespmem:s24+$0x60]  }
0x9c: {  	v18 =	vld [tilespmem:s22+$0x60]  }
0x9d: {  	v11 =	vmul.f32 v11, v14;
	v7 =	vld [tilespmem:s24+$0xFFFFFF70];
	v14 =	vadd.f32 v9, v8  }
.Ltmp2:
0x9e: {  	v9 =	vld [tilespmem:s22+$0xFFFFFF70];
	(pc) =	sbr.rel @p1 .LBB2_3-.Ltmp2, $4  }
0x9f: {  	v13 =	vadd.f32 v11, v10;
	v10 =	vmul.f32 v16, v12;
	v8 =	vld [tilespmem:s24+$0xFFFFFFF0]  }
0xa0: {  	v12 =	vld [tilespmem:s22+$0xFFFFFFF0]  }
0xa1: {  	v11 =	vadd.f32 v10, v17;
	v16 =	vmul.f32 v18, v15;
	v10 =	vld [tilespmem:s24+$0x70]  }
0xa2: {  	s24 =	sadd.s32 $0x200, s24;
	v15 =	vld [tilespmem:s22+$0x70]  }
0xa3: {  	_ =	sdelay $0x1  }
0xa4: {  	v7 =	vmul.f32 v9, v7  }
0xa5: {  	v8 =	vmul.f32 v12, v8  }
0xa6: {  	v9 =	vadd.f32 v16, v14;
	v7 =	vadd.f32 v7, v13;
	v10 =	vmul.f32 v15, v10  }
0xa7: {  	v8 =	vadd.f32 v8, v11  }
0xa8: {  	v11 =	vperm.xlane v7, v0;
	v9 =	vadd.f32 v10, v9  }
0xa9: {  	v10 =	vperm.xlane v8, v0  }
0xaa: {  	v7 =	vadd.f32 v7, v11;
	v11 =	vperm.xlane v9, v0  }
0xab: {  	v8 =	vadd.f32 v8, v10  }
0xac: {  	v10 =	vperm.xlane v7, v1;
	v9 =	vadd.f32 v9, v11  }
0xad: {  	v11 =	vperm.xlane v8, v1  }
0xae: {  	v7 =	vadd.f32 v7, v10;
	v10 =	vperm.xlane v9, v1  }
0xaf: {  	v8 =	vadd.f32 v8, v11  }
0xb0: {  	v11 =	vperm.xlane v7, v2;
	v9 =	vadd.f32 v9, v10  }
0xb1: {  	v10 =	vperm.xlane v8, v2  }
0xb2: {  	v7 =	vadd.f32 v7, v11;
	v11 =	vperm.xlane v9, v2  }
0xb3: {  	v8 =	vadd.f32 v8, v10  }
0xb4: {  	v10 =	vperm.xlane v7, v3;
	v9 =	vadd.f32 v9, v11  }
0xb5: {  	v11 =	vperm.xlane v8, v3  }
0xb6: {  	v7 =	vadd.f32 v7, v10;
	v10 =	vperm.xlane v9, v3  }
0xb7: {  	v8 =	vadd.f32 v8, v11  }
0xb8: {  	[tilespmem:v6+s17+$0x0] =	vst.idx.msk $0xffff, v7;
	v6 =	vadd.f32 v9, v10  }
0xb9: {  	[tilespmem:v5+s17+$0x0] =	vst.idx.msk $0xffff, v8  }
0xba: {  	s22 =	simm.s32 @p0 $0x0;
	[tilespmem:v4+s17+$0x0] =	vst.idx.msk $0xffff, v6  }
0xbb: {  	[tilespmem:s22], [sflag:$0x1] =	stream.linear.gather @p0 [hbm4b:s7+s22], $0x4000, $0x38;
	[tilespmem:$0x10200] =	vst v63  }
0xbc: {  	s23 =	simm.s32 @p0 $0x4000  }
0xbd: {  	[tilespmem:s23], [sflag:$0x1] =	stream.linear.gather @p0 [hbm4b:s8+s22], $0x4000, $0x38;
	[tilespmem:$0x10200] =	vst v63  }
0xbe: {  	_ =	swait.ge [sflag:s18], $0x4000  }
0xbf: {  	[sflag:s18] =	ssyncset.done $0x0  }
0xc0: {  	[sflag:s18] =	ssyncadd.s32 $0xFFFFC000  }
0xc1: {  	_ =	swait.ge [sflag:s18], $0x4000  }
0xc2: {  	[sflag:s18] =	ssyncset.done $0x0  }
0xc3: {  	s30 =	simm.s32 $0x8100;
	[sflag:s18] =	ssyncadd.s32 $0xFFFFC000  }
0xc4: {  	s22 =	simm.s32 $0xC100;
	v4 =	vld [tilespmem:s30+$0x80]  }
0xc5: {  	v5 =	vld [tilespmem:s22+$0x80]  }
0xc6: {  	v6 =	vld [tilespmem:s30+$0x90]  }
0xc7: {  	v7 =	vld [tilespmem:s22+$0x90]  }
0xc8: {  	v8 =	vld [tilespmem:s30+$0xA0]  }
0xc9: {  	v9 =	vld [tilespmem:s22+$0xA0]  }
0xca: {  	v10 =	vld [tilespmem:s30+$0xB0]  }
0xcb: {  	v11 =	vld [tilespmem:s22+$0xB0]  }
0xcc: {  	v12 =	vld [tilespmem:s30+$0xC0]  }
0xcd: {  	v13 =	vld [tilespmem:s22+$0xC0]  }
0xce: {  	v14 =	vld [tilespmem:s30+$0xD0]  }
0xcf: {  	v15 =	vld [tilespmem:s22+$0xD0]  }
0xd0: {  	v16 =	vld [tilespmem:s30+$0xE0]  }
0xd1: {  	v17 =	vld [tilespmem:s22+$0xE0]  }
0xd2: {  	v18 =	vld [tilespmem:s30+$0xF0]  }
0xd3: {  	v19 =	vld [tilespmem:s22+$0xF0]  }
0xd4: {  	v20 =	vld [tilespmem:s22+$0xFFFFFF00]  }
0xd5: {  	v21 =	vld [tilespmem:s30+$0xFFFFFF10]  }
0xd6: {  	v22 =	vld [tilespmem:s22+$0xFFFFFF10]  }
0xd7: {  	v23 =	vld [tilespmem:s30+$0xFFFFFF80]  }
0xd8: {  	v24 =	vld [tilespmem:s22+$0xFFFFFF80]  }
0xd9: {  	v25 =	vld [tilespmem:s30+$0xFFFFFF90]  }
0xda: {  	v26 =	vld [tilespmem:s22+$0xFFFFFF90]  }
0xdb: {  	v27 =	vld [tilespmem:s30+$0x0]  }
0xdc: {  	v28 =	vld [tilespmem:s22+$0x30]  }
0xdd: {  	v30 =	vld [tilespmem:s30+$0xFFFFFF40];
	v4 =	vmul.f32 v5, v4;
	v5 =	vmul.f32 v7, v6  }
0xde: {  	v31 =	vld [tilespmem:s22+$0xFFFFFF40]  }
0xdf: {  	v56 =	vld [tilespmem:s30+$0xFFFFFFC0];
	v4 =	vadd.f32 v5, v4;
	v5 =	vmul.f32 v9, v8  }
0xe0: {  	v32 =	vld [tilespmem:s22+$0xFFFFFFC0]  }
0xe1: {  	v34 =	vld [tilespmem:s30+$0x40];
	v4 =	vadd.f32 v5, v4;
	v5 =	vmul.f32 v11, v10  }
0xe2: {  	v57 =	vld [tilespmem:s22+$0x40]  }
0xe3: {  	v59 =	vld [tilespmem:s30+$0xFFFFFF50];
	v4 =	vadd.f32 v5, v4;
	v5 =	vmul.f32 v13, v12  }
0xe4: {  	v60 =	vld [tilespmem:s22+$0xFFFFFF50]  }
0xe5: {  	v61 =	vld [tilespmem:s30+$0xFFFFFFD0];
	v4 =	vadd.f32 v5, v4;
	v5 =	vmul.f32 v15, v14  }
0xe6: {  	v6 =	vld [tilespmem:s22+$0x0]  }
0xe7: {  	v7 =	vld [tilespmem:s30+$0x10];
	v4 =	vadd.f32 v5, v4;
	v5 =	vmul.f32 v17, v16  }
0xe8: {  	v8 =	vld [tilespmem:s22+$0x10]  }
0xe9: {  	v9 =	vld [tilespmem:s30+$0xFFFFFF00];
	v4 =	vadd.f32 v5, v4;
	v5 =	vmul.f32 v19, v18  }
0xea: {  	v10 =	vld [tilespmem:s30+$0xFFFFFF20]  }
0xeb: {  	v11 =	vld [tilespmem:s22+$0xFFFFFF20];
	v4 =	vadd.f32 v5, v4  }
0xec: {  	v12 =	vld [tilespmem:s30+$0xFFFFFFA0]  }
0xed: {  	v13 =	vld [tilespmem:s22+$0xFFFFFFA0];
	v29 =	vperm.xlane v4, v0  }
0xee: {  	v14 =	vld [tilespmem:s30+$0x20]  }
0xef: {  	v15 =	vld [tilespmem:s22+$0x20];
	v4 =	vadd.f32 v4, v29  }
0xf0: {  	v23 =	vmul.f32 v24, v23;
	v58 =	vmul.f32 v26, v25;
	v16 =	vld [tilespmem:s30+$0xFFFFFF30]  }
0xf1: {  	v17 =	vld [tilespmem:s22+$0xFFFFFF30];
	v33 =	vperm.xlane v4, v1  }
0xf2: {  	v21 =	vmul.f32 v22, v21;
	v23 =	vadd.f32 v58, v23;
	v9 =	vmul.f32 v20, v9;
	v18 =	vld [tilespmem:s30+$0xFFFFFFB0]  }
0xf3: {  	v6 =	vmul.f32 v6, v27;
	v7 =	vmul.f32 v8, v7;
	v5 =	vld [tilespmem:s30+$0x30];
	v4 =	vadd.f32 v4, v33  }
0xf4: {  	v9 =	vadd.f32 v21, v9;
	v10 =	vmul.f32 v11, v10;
	v11 =	vmul.f32 v13, v12;
	v19 =	vld [tilespmem:s22+$0xFFFFFFB0]  }
0xf5: {  	v63 =	vld [tilespmem:s22+$0x60];
	v6 =	vadd.f32 v7, v6;
	v7 =	vmul.f32 v15, v14;
	v8 =	vperm.xlane v4, v2  }
0xf6: {  	v12 =	vld [tilespmem:s22+$0xFFFFFFD0];
	v9 =	vadd.f32 v10, v9;
	v10 =	vadd.f32 v11, v23;
	v11 =	vmul.f32 v17, v16  }
0xf7: {  	v13 =	vld [tilespmem:s22+$0x50];
	v6 =	vadd.f32 v7, v6;
	v4 =	vadd.f32 v4, v8  }
0xf8: {  	v15 =	vld [tilespmem:s30+$0xFFFFFF60];
	v9 =	vadd.f32 v11, v9;
	v11 =	vmul.f32 v31, v30;
	v5 =	vmul.f32 v28, v5  }
0xf9: {  	v14 =	vmul.f32 v19, v18;
	v8 =	vld [tilespmem:s30+$0x50];
	v7 =	vperm.xlane v4, v3  }
0xfa: {  	s24 =	sadd.s32 $0xFFFFFFFC, s21;
	v16 =	vld [tilespmem:s22+$0xFFFFFF60];
	v5 =	vadd.f32 v5, v6;
	v6 =	vadd.f32 v11, v9  }
0xfb: {  	s25 =	sadd.s32 $0x84, s24;
	s26 =	sadd.s32 $0x87, s24;
	v9 =	vmul.f32 v32, v56;
	v11 =	vld [tilespmem:s22+$0xFFFFFFE0];
	v4 =	vadd.f32 v4, v7;
	v7 =	vadd.f32 v14, v10  }
0xfc: {  	v62 =	vmov s26;
	v17 =	vmov s25;
	v18 =	vmul.f32 v60, v59;
	v10 =	vld [tilespmem:s30+$0xFFFFFFE0]  }
0xfd: {  	v12 =	vmul.f32 v12, v61;
	v19 =	vld [tilespmem:s30+$0x60];
	v14 =	vmul.f32 v57, v34;
	v9 =	vadd.f32 v9, v7  }
0xfe: {  	s31 =	sadd.s32 $0x85, s24;
	v18 =	vadd.f32 v18, v6;
	v6 =	vand.u32 $0xFFFFFFFC, v17;
	v13 =	vmul.f32 v13, v8;
	v7 =	vld [tilespmem:s30+$0xFFFFFF70]  }
0xff: {  	s24 =	sadd.s32 $0x86, s24;
	v14 =	vadd.f32 v14, v5;
	v5 =	vmov s31;
	v17 =	vadd.f32 v12, v9;
	v9 =	vld [tilespmem:s22+$0xFFFFFF70]  }
0x100: {  	v15 =	vmul.f32 v16, v15;
	v8 =	vld [tilespmem:s30+$0xFFFFFFF0];
	v5 =	vand.u32 $0xFFFFFFFD, v5;
	v12 =	vmov s24  }
0x101: {  	v14 =	vadd.f32 v13, v14;
	v16 =	vand.u32 $0xFFFFFFFE, v12;
	v11 =	vmul.f32 v11, v10;
	v12 =	vld [tilespmem:s22+$0xFFFFFFF0]  }
0x102: {  	[tilespmem:v62+s17+$0x0] =	vst.idx.msk $0xffff, v4;
	v13 =	vadd.f32 v15, v18;
	v15 =	vld [tilespmem:s22+$0x70];
	v4 =	vbroadcast v16, $0x0;
	v16 =	vmul.f32 v63, v19  }
0x103: {  	s23 =	simm.s32 $0x0;
	v6 =	vbroadcast v6, $0x0;
	v5 =	vbroadcast v5, $0x0;
	s24 =	simm.s32 $0x8300;
	v10 =	vld [tilespmem:s30+$0x70];
	v11 =	vadd.f32 v11, v17  }
.LBB2_5:
0x104: {  	v17 =	vld [tilespmem:s24+$0x80];
	v7 =	vmul.f32 v9, v7;
	v9 =	vadd.f32 v16, v14;
	s22 =	sadd.s32 $0x200, s22;
	s25 =	smov.u32 s23  }
0x105: {  	v14 =	vld [tilespmem:s22+$0x80]  }
0x106: {  	v16 =	vld [tilespmem:s24+$0x90];
	v7 =	vadd.f32 v7, v13;
	v8 =	vmul.f32 v12, v8  }
0x107: {  	s23 =	sadd.s32 $0x4, s23;
	v12 =	vld [tilespmem:s22+$0x90]  }
0x108: {  	p1 =	slt.u32 s23, $0x7C;
	v13 =	vld [tilespmem:s24+$0xA0];
	v18 =	vperm.xlane v7, v0;
	v8 =	vadd.f32 v8, v11;
	v10 =	vmul.f32 v15, v10  }
0x109: {  	v11 =	vld [tilespmem:s22+$0xA0]  }
0x10a: {  	v15 =	vld [tilespmem:s24+$0xB0];
	v7 =	vadd.f32 v7, v18;
	v18 =	vperm.xlane v8, v0;
	v9 =	vadd.f32 v10, v9  }
0x10b: {  	v10 =	vld [tilespmem:s22+$0xB0]  }
0x10c: {  	v14 =	vmul.f32 v14, v17;
	v12 =	vmul.f32 v12, v16;
	v16 =	vld [tilespmem:s24+$0xC0];
	v8 =	vadd.f32 v8, v18  }
0x10d: {  	v18 =	vperm.xlane v7, v1;
	v19 =	vperm.xlane v9, v0;
	v17 =	vld [tilespmem:s22+$0xC0]  }
0x10e: {  	v12 =	vadd.f32 v12, v14;
	v11 =	vmul.f32 v11, v13;
	v13 =	vld [tilespmem:s24+$0xD0];
	v14 =	vperm.xlane v8, v1  }
0x10f: {  	v7 =	vadd.f32 v7, v18;
	v9 =	vadd.f32 v9, v19;
	v20 =	vld [tilespmem:s22+$0xD0]  }
0x110: {  	v11 =	vadd.f32 v11, v12;
	v10 =	vmul.f32 v10, v15;
	v12 =	vld [tilespmem:s24+$0xE0];
	v8 =	vadd.f32 v8, v14  }
0x111: {  	v15 =	vperm.xlane v7, v2;
	v18 =	vperm.xlane v9, v1;
	v14 =	vld [tilespmem:s22+$0xE0]  }
0x112: {  	v10 =	vadd.f32 v10, v11;
	v11 =	vmul.f32 v17, v16;
	v16 =	vld [tilespmem:s24+$0xF0];
	v17 =	vperm.xlane v8, v2  }
0x113: {  	v7 =	vadd.f32 v7, v15;
	v9 =	vadd.f32 v9, v18;
	v19 =	vld [tilespmem:s22+$0xF0]  }
0x114: {  	v15 =	vld [tilespmem:s22+$0xFFFFFF00];
	v10 =	vadd.f32 v11, v10;
	v11 =	vmul.f32 v20, v13;
	v8 =	vadd.f32 v8, v17  }
0x115: {  	v17 =	vperm.xlane v7, v3;
	v18 =	vperm.xlane v9, v2;
	v13 =	vld [tilespmem:s24+$0xFFFFFF10]  }
0x116: {  	v20 =	vld [tilespmem:s22+$0xFFFFFF10];
	v10 =	vadd.f32 v11, v10;
	v11 =	vmul.f32 v14, v12;
	v12 =	vperm.xlane v8, v3  }
0x117: {  	v7 =	vadd.f32 v7, v17;
	v9 =	vadd.f32 v9, v18;
	v14 =	vld [tilespmem:s24+$0xFFFFFF80]  }
0x118: {  	v17 =	vld [tilespmem:s22+$0xFFFFFF80];
	v10 =	vadd.f32 v11, v10;
	v11 =	vmul.f32 v19, v16;
	v8 =	vadd.f32 v8, v12  }
0x119: {  	v12 =	vld [tilespmem:s24+$0xFFFFFF90];
	[tilespmem:v6+s17+$0x0] =	vst.idx.msk $0xffff, v7;
	v6 =	vperm.xlane v9, v3  }
0x11a: {  	v7 =	vld [tilespmem:s22+$0xFFFFFF90];
	v10 =	vadd.f32 v11, v10;
	[tilespmem:v5+s17+$0x0] =	vst.idx.msk $0xffff, v8  }
0x11b: {  	v5 =	vmul.f32 v20, v13;
	v8 =	vld [tilespmem:s24+$0x0];
	v6 =	vadd.f32 v9, v6  }
0x11c: {  	v9 =	vld [tilespmem:s22+$0x0];
	v11 =	vperm.xlane v10, v0  }
0x11d: {  	v13 =	vmul.f32 v17, v14;
	v14 =	vld [tilespmem:s24+$0x10];
	[tilespmem:v4+s17+$0x0] =	vst.idx.msk $0xffff, v6  }
0x11e: {  	v4 =	vld [tilespmem:s22+$0x10];
	v6 =	vadd.f32 v10, v11  }
0x11f: {  	v10 =	vld [tilespmem:s24+$0xFFFFFF00];
	v7 =	vmul.f32 v7, v12  }
0x120: {  	v11 =	vld [tilespmem:s24+$0xFFFFFF20];
	v12 =	vperm.xlane v6, v1  }
0x121: {  	v16 =	vld [tilespmem:s22+$0xFFFFFF20];
	v7 =	vadd.f32 v7, v13;
	v8 =	vmul.f32 v9, v8  }
0x122: {  	v9 =	vld [tilespmem:s24+$0xFFFFFFA0];
	v6 =	vadd.f32 v6, v12  }
0x123: {  	v12 =	vld [tilespmem:s22+$0xFFFFFFA0];
	v4 =	vmul.f32 v4, v14  }
0x124: {  	v10 =	vmul.f32 v15, v10;
	v13 =	vld [tilespmem:s24+$0x20];
	v14 =	vperm.xlane v6, v2  }
0x125: {  	s25 =	sadd.s32 s25, s21;
	v4 =	vadd.f32 v4, v8;
	v8 =	vld [tilespmem:s22+$0x20]  }
0x126: {  	s26 =	sadd.s32 $0x84, s25;
	s28 =	sadd.s32 $0x85, s25;
	s29 =	sadd.s32 $0x87, s25;
	v5 =	vadd.f32 v5, v10;
	v10 =	vmul.f32 v16, v11;
	v11 =	vld [tilespmem:s24+$0xFFFFFF30];
	v6 =	vadd.f32 v6, v14  }
0x127: {  	s25 =	sadd.s32 $0x86, s25;
	v17 =	vmov s29;
	v15 =	vmov s26;
	v16 =	vmov s28;
	v14 =	vld [tilespmem:s22+$0xFFFFFF30]  }
0x128: {  	v10 =	vadd.f32 v10, v5;
	v5 =	vmul.f32 v12, v9;
	v9 =	vld [tilespmem:s24+$0xFFFFFFB0];
	v12 =	vperm.xlane v6, v3  }
0x129: {  	v19 =	vmov s25;
	v15 =	vand.u32 $0xFFFFFFFC, v15;
	v16 =	vand.u32 $0xFFFFFFFD, v16;
	v18 =	vld [tilespmem:s22+$0xFFFFFFB0]  }
0x12a: {  	v7 =	vadd.f32 v5, v7;
	v8 =	vmul.f32 v8, v13;
	v13 =	vld [tilespmem:s24+$0x30];
	v12 =	vadd.f32 v6, v12  }
0x12b: {  	v6 =	vbroadcast v15, $0x0;
	v5 =	vbroadcast v16, $0x0;
	v16 =	vand.u32 $0xFFFFFFFE, v19;
	v15 =	vld [tilespmem:s22+$0x30]  }
0x12c: {  	v11 =	vmul.f32 v14, v11;
	v14 =	vld [tilespmem:s24+$0xFFFFFF40];
	v8 =	vadd.f32 v8, v4;
	v4 =	vbroadcast v16, $0x0;
	[tilespmem:v17+s17+$0x0] =	vst.idx.msk $0xffff, v12  }
0x12d: {  	v12 =	vld [tilespmem:s22+$0xFFFFFF40]  }
0x12e: {  	v10 =	vadd.f32 v11, v10;
	v9 =	vmul.f32 v18, v9;
	v11 =	vld [tilespmem:s24+$0xFFFFFFC0]  }
0x12f: {  	v16 =	vld [tilespmem:s22+$0xFFFFFFC0]  }
0x130: {  	v7 =	vadd.f32 v9, v7;
	v9 =	vmul.f32 v15, v13;
	v13 =	vld [tilespmem:s24+$0x40]  }
0x131: {  	v15 =	vld [tilespmem:s22+$0x40]  }
0x132: {  	v12 =	vmul.f32 v12, v14;
	v14 =	vld [tilespmem:s24+$0xFFFFFF50];
	v8 =	vadd.f32 v9, v8  }
0x133: {  	v9 =	vld [tilespmem:s22+$0xFFFFFF50]  }
0x134: {  	v10 =	vadd.f32 v12, v10;
	v11 =	vmul.f32 v16, v11;
	v12 =	vld [tilespmem:s24+$0xFFFFFFD0]  }
0x135: {  	v16 =	vld [tilespmem:s22+$0xFFFFFFD0]  }
0x136: {  	v7 =	vadd.f32 v11, v7;
	v11 =	vmul.f32 v15, v13;
	v13 =	vld [tilespmem:s24+$0x50]  }
0x137: {  	v15 =	vld [tilespmem:s22+$0x50]  }
0x138: {  	v9 =	vmul.f32 v9, v14;
	v14 =	vld [tilespmem:s24+$0xFFFFFF60];
	v8 =	vadd.f32 v11, v8  }
0x139: {  	v11 =	vld [tilespmem:s22+$0xFFFFFF60]  }
0x13a: {  	v10 =	vadd.f32 v9, v10;
	v9 =	vmul.f32 v16, v12;
	v12 =	vld [tilespmem:s24+$0xFFFFFFE0]  }
0x13b: {  	v16 =	vld [tilespmem:s22+$0xFFFFFFE0]  }
0x13c: {  	v17 =	vadd.f32 v9, v7;
	v9 =	vmul.f32 v15, v13;
	v15 =	vld [tilespmem:s24+$0x60]  }
0x13d: {  	v18 =	vld [tilespmem:s22+$0x60]  }
0x13e: {  	v11 =	vmul.f32 v11, v14;
	v7 =	vld [tilespmem:s24+$0xFFFFFF70];
	v14 =	vadd.f32 v9, v8  }
.Ltmp3:
0x13f: {  	v9 =	vld [tilespmem:s22+$0xFFFFFF70];
	(pc) =	sbr.rel @p1 .LBB2_5-.Ltmp3, $4  }
0x140: {  	v13 =	vadd.f32 v11, v10;
	v10 =	vmul.f32 v16, v12;
	v8 =	vld [tilespmem:s24+$0xFFFFFFF0]  }
0x141: {  	v12 =	vld [tilespmem:s22+$0xFFFFFFF0]  }
0x142: {  	v11 =	vadd.f32 v10, v17;
	v16 =	vmul.f32 v18, v15;
	v10 =	vld [tilespmem:s24+$0x70]  }
0x143: {  	s24 =	sadd.s32 $0x200, s24;
	v15 =	vld [tilespmem:s22+$0x70]  }
0x144: {  	_ =	sdelay $0x1  }
0x145: {  	v7 =	vmul.f32 v9, v7  }
0x146: {  	v8 =	vmul.f32 v12, v8  }
0x147: {  	v50 =	vadd.f32 v16, v14;
	v7 =	vadd.f32 v7, v13;
	v10 =	vmul.f32 v15, v10  }
0x148: {  	v8 =	vadd.f32 v8, v11  }
0x149: {  	v51 =	vperm.xlane v7, v0;
	v9 =	vadd.f32 v10, v50  }
0x14a: {  	v52 =	vperm.xlane v8, v0  }
0x14b: {  	v7 =	vadd.f32 v7, v51;
	v53 =	vperm.xlane v9, v0  }
0x14c: {  	v8 =	vadd.f32 v8, v52  }
0x14d: {  	v54 =	vperm.xlane v7, v1;
	v9 =	vadd.f32 v9, v53  }
0x14e: {  	v55 =	vperm.xlane v8, v1  }
0x14f: {  	v7 =	vadd.f32 v7, v54;
	v56 =	vperm.xlane v9, v1  }
0x150: {  	v8 =	vadd.f32 v8, v55  }
0x151: {  	v57 =	vperm.xlane v7, v2;
	v9 =	vadd.f32 v9, v56  }
0x152: {  	v58 =	vperm.xlane v8, v2  }
0x153: {  	v7 =	vadd.f32 v7, v57;
	v59 =	vperm.xlane v9, v2  }
0x154: {  	v8 =	vadd.f32 v8, v58  }
0x155: {  	v60 =	vperm.xlane v7, v3;
	v9 =	vadd.f32 v9, v59  }
0x156: {  	v61 =	vperm.xlane v8, v3  }
.Ltmp4:
0x157: {  	v7 =	vadd.f32 v7, v60;
	v62 =	vperm.xlane v9, v3;
	(pc) =	sbr.rel @!p0 .LBB2_8-.Ltmp4, $4  }
0x158: {  	v8 =	vadd.f32 v8, v61  }
0x159: {  	[tilespmem:v6+s17+$0x0] =	vst.idx.msk $0xffff, v7;
	v63 =	vadd.f32 v9, v62  }
0x15a: {  	[tilespmem:v5+s17+$0x0] =	vst.idx.msk $0xffff, v8  }
0x15b: {  	[tilespmem:v4+s17+$0x0] =	vst.idx.msk $0xffff, v63  }
.Ltmp5:
0x15c: {  	(pc) =	sbr.rel .LBB2_2-.Ltmp5, $3  }
0x15d: {  	_ =	sdelay $0x1  }
0x15e: {  	[tilespmem:s14], [sflag:$0x2] =	stream.linear.gather [hbm4b:s9+s2], $0x4000, $0x38;
	[tilespmem:$0x10200] =	vst v63  }
0x15f: {  	s21 =	simm.s32 $0x100;
	p0 =	por $0x0, $0x0;
	s22 =	smov.u32 s10  }
.LBB2_9:
0x160: {  	_ =	sfence.sel $0x180000  }
0x161: {  	[bflag:$0x0] =	sbarrier.arrive $0xFFFF  }
0x162: {  	p0 =	sne.s32 s0, $0x0;
	_ =	strace $0x90000047  }
0x163: {  	s0 =	sadd.s32 @!p0 $0x100000, s1;
	[bflag:$0x2] =	sbarrier.arrive $0xFFFF  }
0x164: {  	[sflag:s0] =	ssyncadd.tile.s32 @!p0 $0x1;
	_ =	shalt  }
.Lfunc_end2:
_tile_overlayer_lowered:
.L_overlay_start_2:
0x165: {  	(tag) =	ssettag $0x2  }
0x166: {  	s0 =	rddreg [dreg:$0x0];
	s2 =	stileid.u32  }
0x167: {  	s1 =	rddreg [dreg:$0x1];
	p0 =	sne.s32 s2, $0x0  }
0x168: {  	s3 =	rddreg [dreg:$0x2];
	[bflag:$0x3] =	sbarrier.arrive $0xFFFF;
	s2 =	simm.s32 @!p0 $0x1C03  }
0x169: {  	[timem:s3], [sflag:s2] =	dma.local @!p0 [hbm:s0], s1  }
0x16a: {  	s0 =	simm.s32 @!p0 $0x3  }
0x16b: {  	_ =	swait.ge @!p0 [sflag:s0], s1  }
0x16c: {  	s1 =	ssub.s32 @!p0 $0x0, s1;
	[sflag:s0] =	ssyncset.done @!p0 $0x0  }
0x16d: {  	[sflag:s0] =	ssyncadd.s32 @!p0 s1  }
0x16e: {  	[bflag:$0x3] =	sbarrier.arrive $0xFFFF  }
0x16f: {  	_ =	shalt  }

</sc_bundles>
